<compile_context>
chip_gen: v7x
topology: tpu7x:2x2x1
jax: 0.10.2.dev20260603
libtpu: 0.0.44.dev20260713+nightly
codegen_flags: <defaults>
</compile_context>

<pallas_src>
import functools

import jax
import jax.numpy as jnp
from jax import lax
from jax.experimental import pallas as pl
from jax.experimental.pallas import tpu as pltpu
from jax.experimental.pallas import tpu_sc as plsc

IMAGE_TOKEN_ID = 151655
L = 16
NC, NS = 2, 16
CHUNK = 16
NBUF = 6


def _build_sc_call(B, S, H, V, n_img):
    assert B == NC, "one SparseCore per batch row"
    per_w = S // NS
    n_chunks = per_w // CHUNK
    n_groups = per_w // L
    groups_per_chunk = CHUNK // L

    mesh = plsc.VectorSubcoreMesh(core_axis_name="c", subcore_axis_name="s")

    @functools.partial(
        pl.kernel,
        out_type=jax.ShapeDtypeStruct((B * S, H), jnp.float32),
        mesh=mesh,
        scratch_types=[
            pltpu.VMEM((per_w,), jnp.int32),
            pltpu.VMEM((NBUF, CHUNK, H), jnp.float32),
            pltpu.VMEM((L, H), jnp.float32),
            pltpu.VMEM((L,), jnp.int32),
            pltpu.VMEM((L,), jnp.int32),
            pltpu.VMEM((L,), jnp.int32),
            pltpu.VMEM((NS, L), jnp.int32),
            pltpu.VMEM_SHARED((NS, L), jnp.int32),
        ] + [pltpu.SemaphoreType.DMA] * (2 * NBUF),
        compiler_params=pltpu.CompilerParams(needs_layout_passes=False),
    )
    def sc_call(table_hbm, ids_hbm, img_hbm, out_hbm,
                ids_v, bufs, img_buf, gidx, lidx, cnt_v, cnts_v, shared,
                *sems):
        semg = sems[:NBUF]
        semw = sems[NBUF:]
        c = lax.axis_index("c")
        s = lax.axis_index("s")
        base = c * S + s * per_w
        lanes = lax.iota(jnp.int32, L)
        zeros = jnp.zeros((L,), jnp.int32)
        ones = jnp.ones((L,), jnp.int32)
        img_vec = jnp.full((L,), IMAGE_TOKEN_ID, jnp.int32)
        nimg_vec = jnp.full((L,), n_img, jnp.int32)
        junk_vec = jnp.full((L,), CHUNK, jnp.int32)

        pltpu.sync_copy(ids_hbm.at[pl.ds(base, per_w)], ids_v)

        total = zeros
        for g in range(n_groups):
            m = ids_v[pl.ds(g * L, L)] == img_vec
            total = total + jnp.where(m, ones, zeros)
        cnt_v[...] = jnp.full((L,), jnp.sum(total), jnp.int32)
        pltpu.sync_copy(cnt_v, shared.at[s])
        plsc.subcore_barrier()
        pltpu.sync_copy(shared, cnts_v)
        diag = plsc.load_gather(cnts_v, [lanes, zeros])
        prefix = jnp.sum(jnp.where(lanes < s, diag, 0))

        def start_gather(ci):
            b = ci % NBUF
            return pltpu.async_copy(
                table_hbm.at[pl.ds(base + ci * CHUNK, CHUNK)],
                bufs.at[b, pl.ds(0, CHUNK)], semg[b])

        def start_wb(ci):
            b = ci % NBUF
            return pltpu.async_copy(
                bufs.at[b, pl.ds(0, CHUNK)],
                out_hbm.at[pl.ds(base + ci * CHUNK, CHUNK)], semw[b])

        def patch(ci, carry):
            b = ci % NBUF
            for gg in range(groups_per_chunk):
                g = ci * groups_per_chunk + gg
                ids = ids_v[pl.ds(g * L, L)]
                m = ids == img_vec
                mi = jnp.where(m, ones, zeros)
                j = jnp.full((L,), carry, jnp.int32) + plsc.cumsum(mi) - 1
                validi = mi * jnp.where(j < nimg_vec, ones, zeros)
                valid = validi == ones

                @pl.when(jnp.sum(validi) > 0)
                def _(j=j, valid=valid, gg=gg, b=b):
                    gidx[...] = jnp.where(valid, j, zeros)
                    lidx[...] = jnp.where(valid, gg * L + lanes, junk_vec)
                    pltpu.sync_copy(img_hbm.at[gidx], img_buf)
                    pltpu.sync_copy(img_buf, bufs.at[b].at[lidx])

                carry = carry + jnp.sum(mi)
            return carry

        gd = [None] * n_chunks
        wd = [None] * n_chunks
        carry = prefix
        for ci in range(min(NBUF - 1, n_chunks)):
            gd[ci] = start_gather(ci)
        for ci in range(n_chunks):
            nxt = ci + NBUF - 1
            if nxt < n_chunks:
                if ci - 1 >= 0:
                    pass
                gd[nxt] = start_gather(nxt)
            gd[ci].wait()
            wd[ci] = None

    return sc_call


def kernel(input_ids, attention_mask, image_embeds, embed_table):
    del attention_mask
    B, S = input_ids.shape
    V, H = embed_table.shape
    n_img = image_embeds.shape[0]
    ids_flat = input_ids.reshape(B * S).astype(jnp.int32)
    sc_call = _build_sc_call(B, S, H, V, n_img)
    out = sc_call(embed_table, ids_flat, image_embeds)
    return out.reshape(B, S, H)

# --- scband reference (transcript-rebuilt; emitter-appended) ---
"""Pipeline reference for scband-neuron-text-encoder-wrapper-84318797955203 (READ-ONLY COPY).

The authoritative reference and input builder live on the scoring server;
editing this copy changes nothing except your own understanding.
"""

import jax, jax.numpy as jnp
import numpy as np

IMAGE_TOKEN_ID = 151655
NUM_IMAGE_TOKENS = 256  # ((448 // 14) // 2) ** 2
B, S, H, V = 2, 4096, 1024, 151936


def setup_inputs(seed: int = 0) -> dict:
    key = jax.random.key(seed)
    k1, k2, k3 = jax.random.split(key, 3)
    input_ids = jax.random.randint(k1, (B, S), 0, V, dtype=jnp.int32)
    # place a contiguous run of image tokens in each sequence (as a real VLM prompt would)
    input_ids = input_ids.at[:, 100:100 + NUM_IMAGE_TOKENS].set(IMAGE_TOKEN_ID)
    attention_mask = jnp.ones((B, S), dtype=jnp.int32)
    image_embeds = jax.random.normal(k2, (NUM_IMAGE_TOKENS, H), dtype=jnp.float32)
    embed_table = jax.random.normal(k3, (V, H), dtype=jnp.float32) * 0.02
    return {
        "input_ids": input_ids,
        "attention_mask": attention_mask,
        "image_embeds": image_embeds,
        "embed_table": embed_table,
    }


def reference(input_ids, attention_mask, image_embeds, embed_table):
    # 1) embed_tokens(input_ids): embedding gather
    text_embeds = jnp.take(embed_table, input_ids, axis=0)  # [B, S, H]
    # 2) _merge_embeddings: overwrite rows at image-token positions with image_embeds,
    #    in order (i-th image position gets image_embeds[i]), capped at num image tokens.
    mask = input_ids == IMAGE_TOKEN_ID  # [B, S]
    j = jnp.cumsum(mask.astype(jnp.int32), axis=1) - 1  # rank of each image position within its row
    n_img = image_embeds.shape[0]
    valid = mask & (j < n_img)
    jc = jnp.clip(j, 0, n_img - 1)
    gathered = jnp.take(image_embeds, jc, axis=0)  # [B, S, H]
    inputs_embeds = jnp.where(valid[..., None], gathered, text_embeds)
    # 3) compiled_language_model stub (external compiled artifact) -> identity on inputs_embeds
    hidden_states = inputs_embeds
    return hidden_states

if __name__ == "__main__":
    import jax
    _d = setup_inputs()
    print(jax.jit(kernel)(*tuple(_d.values())))

</pallas_src>

<mosaic_0001>
#map = affine_map<(d0, d1) -> (0, 0)>
#map1 = affine_map<(d0, d1) -> (0)>
module attributes {stable_mosaic.version = 14 : i64} {
  func.func @sc_call(%arg0: i32, %arg1: i32, %arg2: memref<151936x1024xf32, #tpu.memory_space<hbm>>, %arg3: memref<8192xi32, #tpu.memory_space<hbm>>, %arg4: memref<256x1024xf32, #tpu.memory_space<hbm>>, %arg5: memref<8192x1024xf32, #tpu.memory_space<hbm>>, %arg6: memref<256xi32, #tpu.memory_space<vmem>>, %arg7: memref<6x16x1024xf32, #tpu.memory_space<vmem>>, %arg8: memref<16x1024xf32, #tpu.memory_space<vmem>>, %arg9: memref<16xi32, #tpu.memory_space<vmem>>, %arg10: memref<16xi32, #tpu.memory_space<vmem>>, %arg11: memref<16xi32, #tpu.memory_space<vmem>>, %arg12: memref<16x16xi32, #tpu.memory_space<vmem>>, %arg13: memref<16x16xi32, #tpu.memory_space<vmem_shared>>, %arg14: memref<!tpu.dma_semaphore, #tpu.memory_space<semaphore_mem>>, %arg15: memref<!tpu.dma_semaphore, #tpu.memory_space<semaphore_mem>>, %arg16: memref<!tpu.dma_semaphore, #tpu.memory_space<semaphore_mem>>, %arg17: memref<!tpu.dma_semaphore, #tpu.memory_space<semaphore_mem>>, %arg18: memref<!tpu.dma_semaphore, #tpu.memory_space<semaphore_mem>>, %arg19: memref<!tpu.dma_semaphore, #tpu.memory_space<semaphore_mem>>, %arg20: memref<!tpu.dma_semaphore, #tpu.memory_space<semaphore_mem>>, %arg21: memref<!tpu.dma_semaphore, #tpu.memory_space<semaphore_mem>>, %arg22: memref<!tpu.dma_semaphore, #tpu.memory_space<semaphore_mem>>, %arg23: memref<!tpu.dma_semaphore, #tpu.memory_space<semaphore_mem>>, %arg24: memref<!tpu.dma_semaphore, #tpu.memory_space<semaphore_mem>>, %arg25: memref<!tpu.dma_semaphore, #tpu.memory_space<semaphore_mem>>) attributes {dimension_semantics = [#tpu.dimension_semantics<core_parallel>, #tpu.dimension_semantics<subcore_parallel>], iteration_bounds = array<i64: 2, 16>, scalar_prefetch = 0 : i64, scratch_operands = 20 : i64, tpu.core_type = #tpu.core_type<sc_vector_subcore>, window_params = [{transform_indices = #map}, {transform_indices = #map1}, {transform_indices = #map}, {transform_indices = #map}]} {
    %mul3A = arith.constant 4096 : i32
    %mul3A_0 = arith.muli %arg0, %mul3A : i32
    %mul3A_1 = arith.constant 256 : i32
    %mul3A_2 = arith.muli %arg1, %mul3A_1 : i32
    %add3A = arith.addi %mul3A_0, %mul3A_2 : i32
    %iota3A = tpu.iota {dimensions = array<i32: 0>} : vector<16xi32>
    %broadcast_in_dim3A = arith.constant 0 : i32
    %broadcast_in_dim3A_3 = vector.broadcast %broadcast_in_dim3A : i32 to vector<16xi32>
    %broadcast_in_dim3A_4 = arith.constant 1 : i32
    %broadcast_in_dim3A_5 = vector.broadcast %broadcast_in_dim3A_4 : i32 to vector<16xi32>
    %broadcast_in_dim3A_6 = arith.constant 151655 : i32
    %broadcast_in_dim3A_7 = vector.broadcast %broadcast_in_dim3A_6 : i32 to vector<16xi32>
    %broadcast_in_dim3A_8 = arith.constant 256 : i32
    %broadcast_in_dim3A_9 = vector.broadcast %broadcast_in_dim3A_8 : i32 to vector<16xi32>
    %broadcast_in_dim3A_10 = arith.constant 16 : i32
    %broadcast_in_dim3A_11 = vector.broadcast %broadcast_in_dim3A_10 : i32 to vector<16xi32>
    "tpu.region"() ({
      %run_scoped3A = tpu.sem_alloc : memref<!tpu.dma_semaphore, #tpu.memory_space<semaphore_mem>>
      %dma_start3A_547 = tpu.memref_slice %arg3[%add3A] : memref<8192xi32, #tpu.memory_space<hbm>> -> memref<256xi32, #tpu.memory_space<hbm>>
      %dma_start3A_548 = tpu.memref_slice %arg3[%add3A] : memref<8192xi32, #tpu.memory_space<hbm>> -> memref<256xi32, #tpu.memory_space<hbm>>
      tpu.enqueue_dma source(%dma_start3A_548 : memref<256xi32, #tpu.memory_space<hbm>>) target(%arg6 : memref<256xi32, #tpu.memory_space<vmem>>) target_semaphore(%run_scoped3A : memref<!tpu.dma_semaphore, #tpu.memory_space<semaphore_mem>>)
      %dma_wait3A_549 = tpu.memref_slice %arg3[%add3A] : memref<8192xi32, #tpu.memory_space<hbm>> -> memref<256xi32, #tpu.memory_space<hbm>>
      %dma_wait3A_550 = tpu.memref_slice %arg3[%add3A] : memref<8192xi32, #tpu.memory_space<hbm>> -> memref<256xi32, #tpu.memory_space<hbm>>
      tpu.wait_dma2 semaphore(%run_scoped3A : memref<!tpu.dma_semaphore, #tpu.memory_space<semaphore_mem>>) src(%dma_wait3A_550 : memref<256xi32, #tpu.memory_space<hbm>>) dst(%arg6 : memref<256xi32, #tpu.memory_space<vmem>>)
      tpu.yield
    }) : () -> ()
    %get3A = arith.constant 0 : index
    %get3A_12 = tpu.vector_load %arg6[%get3A] {strides = array<i32>} : memref<256xi32, #tpu.memory_space<vmem>>, vector<16xi32>,
    %eq3A = arith.cmpi eq, %get3A_12, %broadcast_in_dim3A_7 : vector<16xi32>
    %select_n3A = arith.select %eq3A, %broadcast_in_dim3A_5, %broadcast_in_dim3A_3 : vector<16xi1>, vector<16xi32>
    %add3A_13 = arith.addi %broadcast_in_dim3A_3, %select_n3A : vector<16xi32>
    %get3A_14 = arith.constant 16 : index
    %get3A_15 = tpu.vector_load %arg6[%get3A_14] {strides = array<i32>} : memref<256xi32, #tpu.memory_space<vmem>>, vector<16xi32>,
    %eq3A_16 = arith.cmpi eq, %get3A_15, %broadcast_in_dim3A_7 : vector<16xi32>
    %select_n3A_17 = arith.select %eq3A_16, %broadcast_in_dim3A_5, %broadcast_in_dim3A_3 : vector<16xi1>, vector<16xi32>
    %add3A_18 = arith.addi %add3A_13, %select_n3A_17 : vector<16xi32>
    %get3A_19 = arith.constant 32 : index
    %get3A_20 = tpu.vector_load %arg6[%get3A_19] {strides = array<i32>} : memref<256xi32, #tpu.memory_space<vmem>>, vector<16xi32>,
    %eq3A_21 = arith.cmpi eq, %get3A_20, %broadcast_in_dim3A_7 : vector<16xi32>
    %select_n3A_22 = arith.select %eq3A_21, %broadcast_in_dim3A_5, %broadcast_in_dim3A_3 : vector<16xi1>, vector<16xi32>
    %add3A_23 = arith.addi %add3A_18, %select_n3A_22 : vector<16xi32>
    %get3A_24 = arith.constant 48 : index
    %get3A_25 = tpu.vector_load %arg6[%get3A_24] {strides = array<i32>} : memref<256xi32, #tpu.memory_space<vmem>>, vector<16xi32>,
    %eq3A_26 = arith.cmpi eq, %get3A_25, %broadcast_in_dim3A_7 : vector<16xi32>
    %select_n3A_27 = arith.select %eq3A_26, %broadcast_in_dim3A_5, %broadcast_in_dim3A_3 : vector<16xi1>, vector<16xi32>
    %add3A_28 = arith.addi %add3A_23, %select_n3A_27 : vector<16xi32>
    %get3A_29 = arith.constant 64 : index
    %get3A_30 = tpu.vector_load %arg6[%get3A_29] {strides = array<i32>} : memref<256xi32, #tpu.memory_space<vmem>>, vector<16xi32>,
    %eq3A_31 = arith.cmpi eq, %get3A_30, %broadcast_in_dim3A_7 : vector<16xi32>
    %select_n3A_32 = arith.select %eq3A_31, %broadcast_in_dim3A_5, %broadcast_in_dim3A_3 : vector<16xi1>, vector<16xi32>
    %add3A_33 = arith.addi %add3A_28, %select_n3A_32 : vector<16xi32>
    %get3A_34 = arith.constant 80 : index
    %get3A_35 = tpu.vector_load %arg6[%get3A_34] {strides = array<i32>} : memref<256xi32, #tpu.memory_space<vmem>>, vector<16xi32>,
    %eq3A_36 = arith.cmpi eq, %get3A_35, %broadcast_in_dim3A_7 : vector<16xi32>
    %select_n3A_37 = arith.select %eq3A_36, %broadcast_in_dim3A_5, %broadcast_in_dim3A_3 : vector<16xi1>, vector<16xi32>
    %add3A_38 = arith.addi %add3A_33, %select_n3A_37 : vector<16xi32>
    %get3A_39 = arith.constant 96 : index
    %get3A_40 = tpu.vector_load %arg6[%get3A_39] {strides = array<i32>} : memref<256xi32, #tpu.memory_space<vmem>>, vector<16xi32>,
    %eq3A_41 = arith.cmpi eq, %get3A_40, %broadcast_in_dim3A_7 : vector<16xi32>
    %select_n3A_42 = arith.select %eq3A_41, %broadcast_in_dim3A_5, %broadcast_in_dim3A_3 : vector<16xi1>, vector<16xi32>
    %add3A_43 = arith.addi %add3A_38, %select_n3A_42 : vector<16xi32>
    %get3A_44 = arith.constant 112 : index
    %get3A_45 = tpu.vector_load %arg6[%get3A_44] {strides = array<i32>} : memref<256xi32, #tpu.memory_space<vmem>>, vector<16xi32>,
    %eq3A_46 = arith.cmpi eq, %get3A_45, %broadcast_in_dim3A_7 : vector<16xi32>
    %select_n3A_47 = arith.select %eq3A_46, %broadcast_in_dim3A_5, %broadcast_in_dim3A_3 : vector<16xi1>, vector<16xi32>
    %add3A_48 = arith.addi %add3A_43, %select_n3A_47 : vector<16xi32>
    %get3A_49 = arith.constant 128 : index
    %get3A_50 = tpu.vector_load %arg6[%get3A_49] {strides = array<i32>} : memref<256xi32, #tpu.memory_space<vmem>>, vector<16xi32>,
    %eq3A_51 = arith.cmpi eq, %get3A_50, %broadcast_in_dim3A_7 : vector<16xi32>
    %select_n3A_52 = arith.select %eq3A_51, %broadcast_in_dim3A_5, %broadcast_in_dim3A_3 : vector<16xi1>, vector<16xi32>
    %add3A_53 = arith.addi %add3A_48, %select_n3A_52 : vector<16xi32>
    %get3A_54 = arith.constant 144 : index
    %get3A_55 = tpu.vector_load %arg6[%get3A_54] {strides = array<i32>} : memref<256xi32, #tpu.memory_space<vmem>>, vector<16xi32>,
    %eq3A_56 = arith.cmpi eq, %get3A_55, %broadcast_in_dim3A_7 : vector<16xi32>
    %select_n3A_57 = arith.select %eq3A_56, %broadcast_in_dim3A_5, %broadcast_in_dim3A_3 : vector<16xi1>, vector<16xi32>
    %add3A_58 = arith.addi %add3A_53, %select_n3A_57 : vector<16xi32>
    %get3A_59 = arith.constant 160 : index
    %get3A_60 = tpu.vector_load %arg6[%get3A_59] {strides = array<i32>} : memref<256xi32, #tpu.memory_space<vmem>>, vector<16xi32>,
    %eq3A_61 = arith.cmpi eq, %get3A_60, %broadcast_in_dim3A_7 : vector<16xi32>
    %select_n3A_62 = arith.select %eq3A_61, %broadcast_in_dim3A_5, %broadcast_in_dim3A_3 : vector<16xi1>, vector<16xi32>
    %add3A_63 = arith.addi %add3A_58, %select_n3A_62 : vector<16xi32>
    %get3A_64 = arith.constant 176 : index
    %get3A_65 = tpu.vector_load %arg6[%get3A_64] {strides = array<i32>} : memref<256xi32, #tpu.memory_space<vmem>>, vector<16xi32>,
    %eq3A_66 = arith.cmpi eq, %get3A_65, %broadcast_in_dim3A_7 : vector<16xi32>
    %select_n3A_67 = arith.select %eq3A_66, %broadcast_in_dim3A_5, %broadcast_in_dim3A_3 : vector<16xi1>, vector<16xi32>
    %add3A_68 = arith.addi %add3A_63, %select_n3A_67 : vector<16xi32>
    %get3A_69 = arith.constant 192 : index
    %get3A_70 = tpu.vector_load %arg6[%get3A_69] {strides = array<i32>} : memref<256xi32, #tpu.memory_space<vmem>>, vector<16xi32>,
    %eq3A_71 = arith.cmpi eq, %get3A_70, %broadcast_in_dim3A_7 : vector<16xi32>
    %select_n3A_72 = arith.select %eq3A_71, %broadcast_in_dim3A_5, %broadcast_in_dim3A_3 : vector<16xi1>, vector<16xi32>
    %add3A_73 = arith.addi %add3A_68, %select_n3A_72 : vector<16xi32>
    %get3A_74 = arith.constant 208 : index
    %get3A_75 = tpu.vector_load %arg6[%get3A_74] {strides = array<i32>} : memref<256xi32, #tpu.memory_space<vmem>>, vector<16xi32>,
    %eq3A_76 = arith.cmpi eq, %get3A_75, %broadcast_in_dim3A_7 : vector<16xi32>
    %select_n3A_77 = arith.select %eq3A_76, %broadcast_in_dim3A_5, %broadcast_in_dim3A_3 : vector<16xi1>, vector<16xi32>
    %add3A_78 = arith.addi %add3A_73, %select_n3A_77 : vector<16xi32>
    %get3A_79 = arith.constant 224 : index
    %get3A_80 = tpu.vector_load %arg6[%get3A_79] {strides = array<i32>} : memref<256xi32, #tpu.memory_space<vmem>>, vector<16xi32>,
    %eq3A_81 = arith.cmpi eq, %get3A_80, %broadcast_in_dim3A_7 : vector<16xi32>
    %select_n3A_82 = arith.select %eq3A_81, %broadcast_in_dim3A_5, %broadcast_in_dim3A_3 : vector<16xi1>, vector<16xi32>
    %add3A_83 = arith.addi %add3A_78, %select_n3A_82 : vector<16xi32>
    %get3A_84 = arith.constant 240 : index
    %get3A_85 = tpu.vector_load %arg6[%get3A_84] {strides = array<i32>} : memref<256xi32, #tpu.memory_space<vmem>>, vector<16xi32>,
    %eq3A_86 = arith.cmpi eq, %get3A_85, %broadcast_in_dim3A_7 : vector<16xi32>
    %select_n3A_87 = arith.select %eq3A_86, %broadcast_in_dim3A_5, %broadcast_in_dim3A_3 : vector<16xi1>, vector<16xi32>
    %add3A_88 = arith.addi %add3A_83, %select_n3A_87 : vector<16xi32>
    %reduce_sum3A = arith.constant true
    %reduce_sum3A_89 = vector.broadcast %reduce_sum3A : i1 to vector<16xi1>
    %reduce_sum3A_90 = tpu.scan <sum>, %add3A_88 masked %reduce_sum3A_89 : vector<16xi32>, vector<16xi1> -> vector<16xi32>
    %reduce_sum3A_91 = vector.extract %reduce_sum3A_90[15] : i32 from vector<16xi32>
    %broadcast_in_dim3A_92 = vector.broadcast %reduce_sum3A_91 : i32 to vector<16xi32>
    %swap3A = arith.constant 0 : index
    %swap3A_93 = tpu.vector_load %arg11[%swap3A] {strides = array<i32>} : memref<16xi32, #tpu.memory_space<vmem>>, vector<16xi32>,
    tpu.vector_store %arg11[%swap3A], %broadcast_in_dim3A_92 {strides = array<i32>} : memref<16xi32, #tpu.memory_space<vmem>>, vector<16xi32>,
    "tpu.region"() ({
      %run_scoped3A = tpu.sem_alloc : memref<!tpu.dma_semaphore, #tpu.memory_space<semaphore_mem>>
      %dma_start3A_547 = arith.constant 0 : i32
      %dma_start3A_548 = tpu.memref_slice %arg13[%arg1, %dma_start3A_547] : memref<16x16xi32, #tpu.memory_space<vmem_shared>> -> memref<1x16xi32, #tpu.memory_space<vmem_shared>>
      %dma_start3A_549 = tpu.memref_squeeze %dma_start3A_548 : memref<1x16xi32, #tpu.memory_space<vmem_shared>> -> memref<16xi32, #tpu.memory_space<vmem_shared>>
      %dma_start3A_550 = arith.constant 0 : i32
      %dma_start3A_551 = tpu.memref_slice %arg13[%arg1, %dma_start3A_550] : memref<16x16xi32, #tpu.memory_space<vmem_shared>> -> memref<1x16xi32, #tpu.memory_space<vmem_shared>>
      %dma_start3A_552 = tpu.memref_squeeze %dma_start3A_551 : memref<1x16xi32, #tpu.memory_space<vmem_shared>> -> memref<16xi32, #tpu.memory_space<vmem_shared>>
      tpu.enqueue_dma source(%arg11 : memref<16xi32, #tpu.memory_space<vmem>>) target(%dma_start3A_552 : memref<16xi32, #tpu.memory_space<vmem_shared>>) target_semaphore(%run_scoped3A : memref<!tpu.dma_semaphore, #tpu.memory_space<semaphore_mem>>)
      %dma_wait3A_553 = arith.constant 0 : i32
      %dma_wait3A_554 = tpu.memref_slice %arg13[%arg1, %dma_wait3A_553] : memref<16x16xi32, #tpu.memory_space<vmem_shared>> -> memref<1x16xi32, #tpu.memory_space<vmem_shared>>
      %dma_wait3A_555 = tpu.memref_squeeze %dma_wait3A_554 : memref<1x16xi32, #tpu.memory_space<vmem_shared>> -> memref<16xi32, #tpu.memory_space<vmem_shared>>
      %dma_wait3A_556 = arith.constant 0 : i32
      %dma_wait3A_557 = tpu.memref_slice %arg13[%arg1, %dma_wait3A_556] : memref<16x16xi32, #tpu.memory_space<vmem_shared>> -> memref<1x16xi32, #tpu.memory_space<vmem_shared>>
      %dma_wait3A_558 = tpu.memref_squeeze %dma_wait3A_557 : memref<1x16xi32, #tpu.memory_space<vmem_shared>> -> memref<16xi32, #tpu.memory_space<vmem_shared>>
      tpu.wait_dma2 semaphore(%run_scoped3A : memref<!tpu.dma_semaphore, #tpu.memory_space<semaphore_mem>>) src(%arg11 : memref<16xi32, #tpu.memory_space<vmem>>) dst(%dma_wait3A_558 : memref<16xi32, #tpu.memory_space<vmem_shared>>)
      tpu.yield
    }) : () -> ()
    %barrier3A = arith.constant 0 : index
    tpu.barrier barrier_id(%barrier3A)
    "tpu.region"() ({
      %run_scoped3A = tpu.sem_alloc : memref<!tpu.dma_semaphore, #tpu.memory_space<semaphore_mem>>
      tpu.enqueue_dma source(%arg13 : memref<16x16xi32, #tpu.memory_space<vmem_shared>>) target(%arg12 : memref<16x16xi32, #tpu.memory_space<vmem>>) target_semaphore(%run_scoped3A : memref<!tpu.dma_semaphore, #tpu.memory_space<semaphore_mem>>)
      tpu.wait_dma2 semaphore(%run_scoped3A : memref<!tpu.dma_semaphore, #tpu.memory_space<semaphore_mem>>) src(%arg13 : memref<16x16xi32, #tpu.memory_space<vmem_shared>>) dst(%arg12 : memref<16x16xi32, #tpu.memory_space<vmem>>)
      tpu.yield
    }) : () -> ()
    %gather3A = tpu.vector_load_idx %arg12[%iota3A, %broadcast_in_dim3A_3] : memref<16x16xi32, #tpu.memory_space<vmem>>[vector<16xi32>, vector<16xi32>], vector<16xi32>,
    %lt3A = vector.broadcast %arg1 : i32 to vector<16xi32>
    %lt3A_94 = arith.cmpi slt, %iota3A, %lt3A : vector<16xi32>
    %jit3A = arith.constant 0 : i32
    %broadcast_in_dim3A_95 = vector.broadcast %jit3A : i32 to vector<16xi32>
    %select_n3A_96 = arith.select %lt3A_94, %gather3A, %broadcast_in_dim3A_95 : vector<16xi1>, vector<16xi32>
    %reduce_sum3A_97 = arith.constant true
    %reduce_sum3A_98 = vector.broadcast %reduce_sum3A_97 : i1 to vector<16xi1>
    %reduce_sum3A_99 = tpu.scan <sum>, %select_n3A_96 masked %reduce_sum3A_98 : vector<16xi32>, vector<16xi1> -> vector<16xi32>
    %reduce_sum3A_100 = vector.extract %reduce_sum3A_99[15] : i32 from vector<16xi32>
    %add3A_101 = arith.constant 0 : i32
    %add3A_102 = arith.addi %add3A, %add3A_101 : i32
    %dma_start3A = arith.constant 0 : i32
    %dma_start3A_103 = arith.constant 0 : i32
    %dma_start3A_104 = arith.constant 0 : i32
    %dma_start3A_105 = tpu.memref_slice %arg7[%dma_start3A, %dma_start3A_103, %dma_start3A_104] : memref<6x16x1024xf32, #tpu.memory_space<vmem>> -> memref<1x16x1024xf32, #tpu.memory_space<vmem>>
    %dma_start3A_106 = tpu.memref_squeeze %dma_start3A_105 : memref<1x16x1024xf32, #tpu.memory_space<vmem>> -> memref<16x1024xf32, #tpu.memory_space<vmem>>
    %dma_start3A_107 = arith.constant 0 : i32
    %dma_start3A_108 = tpu.memref_slice %arg2[%add3A_102, %dma_start3A_107] : memref<151936x1024xf32, #tpu.memory_space<hbm>> -> memref<16x1024xf32, #tpu.memory_space<hbm>>
    %dma_start3A_109 = arith.constant 0 : i32
    %dma_start3A_110 = arith.constant 0 : i32
    %dma_start3A_111 = tpu.memref_slice %arg7[%dma_start3A, %dma_start3A_109, %dma_start3A_110] : memref<6x16x1024xf32, #tpu.memory_space<vmem>> -> memref<1x16x1024xf32, #tpu.memory_space<vmem>>
    %dma_start3A_112 = tpu.memref_squeeze %dma_start3A_111 : memref<1x16x1024xf32, #tpu.memory_space<vmem>> -> memref<16x1024xf32, #tpu.memory_space<vmem>>
    %dma_start3A_113 = arith.constant 0 : i32
    %dma_start3A_114 = tpu.memref_slice %arg2[%add3A_102, %dma_start3A_113] : memref<151936x1024xf32, #tpu.memory_space<hbm>> -> memref<16x1024xf32, #tpu.memory_space<hbm>>
    tpu.enqueue_dma source(%dma_start3A_114 : memref<16x1024xf32, #tpu.memory_space<hbm>>) target(%dma_start3A_112 : memref<16x1024xf32, #tpu.memory_space<vmem>>) target_semaphore(%arg14 : memref<!tpu.dma_semaphore, #tpu.memory_space<semaphore_mem>>)
    %add3A_115 = arith.constant 16 : i32
    %add3A_116 = arith.addi %add3A, %add3A_115 : i32
    %dma_start3A_117 = arith.constant 1 : i32
    %dma_start3A_118 = arith.constant 0 : i32
    %dma_start3A_119 = arith.constant 0 : i32
    %dma_start3A_120 = tpu.memref_slice %arg7[%dma_start3A_117, %dma_start3A_118, %dma_start3A_119] : memref<6x16x1024xf32, #tpu.memory_space<vmem>> -> memref<1x16x1024xf32, #tpu.memory_space<vmem>>
    %dma_start3A_121 = tpu.memref_squeeze %dma_start3A_120 : memref<1x16x1024xf32, #tpu.memory_space<vmem>> -> memref<16x1024xf32, #tpu.memory_space<vmem>>
    %dma_start3A_122 = arith.constant 0 : i32
    %dma_start3A_123 = tpu.memref_slice %arg2[%add3A_116, %dma_start3A_122] : memref<151936x1024xf32, #tpu.memory_space<hbm>> -> memref<16x1024xf32, #tpu.memory_space<hbm>>
    %dma_start3A_124 = arith.constant 0 : i32
    %dma_start3A_125 = arith.constant 0 : i32
    %dma_start3A_126 = tpu.memref_slice %arg7[%dma_start3A_117, %dma_start3A_124, %dma_start3A_125] : memref<6x16x1024xf32, #tpu.memory_space<vmem>> -> memref<1x16x1024xf32, #tpu.memory_space<vmem>>
    %dma_start3A_127 = tpu.memref_squeeze %dma_start3A_126 : memref<1x16x1024xf32, #tpu.memory_space<vmem>> -> memref<16x1024xf32, #tpu.memory_space<vmem>>
    %dma_start3A_128 = arith.constant 0 : i32
    %dma_start3A_129 = tpu.memref_slice %arg2[%add3A_116, %dma_start3A_128] : memref<151936x1024xf32, #tpu.memory_space<hbm>> -> memref<16x1024xf32, #tpu.memory_space<hbm>>
    tpu.enqueue_dma source(%dma_start3A_129 : memref<16x1024xf32, #tpu.memory_space<hbm>>) target(%dma_start3A_127 : memref<16x1024xf32, #tpu.memory_space<vmem>>) target_semaphore(%arg15 : memref<!tpu.dma_semaphore, #tpu.memory_space<semaphore_mem>>)
    %add3A_130 = arith.constant 32 : i32
    %add3A_131 = arith.addi %add3A, %add3A_130 : i32
    %dma_start3A_132 = arith.constant 2 : i32
    %dma_start3A_133 = arith.constant 0 : i32
    %dma_start3A_134 = arith.constant 0 : i32
    %dma_start3A_135 = tpu.memref_slice %arg7[%dma_start3A_132, %dma_start3A_133, %dma_start3A_134] : memref<6x16x1024xf32, #tpu.memory_space<vmem>> -> memref<1x16x1024xf32, #tpu.memory_space<vmem>>
    %dma_start3A_136 = tpu.memref_squeeze %dma_start3A_135 : memref<1x16x1024xf32, #tpu.memory_space<vmem>> -> memref<16x1024xf32, #tpu.memory_space<vmem>>
    %dma_start3A_137 = arith.constant 0 : i32
    %dma_start3A_138 = tpu.memref_slice %arg2[%add3A_131, %dma_start3A_137] : memref<151936x1024xf32, #tpu.memory_space<hbm>> -> memref<16x1024xf32, #tpu.memory_space<hbm>>
    %dma_start3A_139 = arith.constant 0 : i32
    %dma_start3A_140 = arith.constant 0 : i32
    %dma_start3A_141 = tpu.memref_slice %arg7[%dma_start3A_132, %dma_start3A_139, %dma_start3A_140] : memref<6x16x1024xf32, #tpu.memory_space<vmem>> -> memref<1x16x1024xf32, #tpu.memory_space<vmem>>
    %dma_start3A_142 = tpu.memref_squeeze %dma_start3A_141 : memref<1x16x1024xf32, #tpu.memory_space<vmem>> -> memref<16x1024xf32, #tpu.memory_space<vmem>>
    %dma_start3A_143 = arith.constant 0 : i32
    %dma_start3A_144 = tpu.memref_slice %arg2[%add3A_131, %dma_start3A_143] : memref<151936x1024xf32, #tpu.memory_space<hbm>> -> memref<16x1024xf32, #tpu.memory_space<hbm>>
    tpu.enqueue_dma source(%dma_start3A_144 : memref<16x1024xf32, #tpu.memory_space<hbm>>) target(%dma_start3A_142 : memref<16x1024xf32, #tpu.memory_space<vmem>>) target_semaphore(%arg16 : memref<!tpu.dma_semaphore, #tpu.memory_space<semaphore_mem>>)
    %add3A_145 = arith.constant 48 : i32
    %add3A_146 = arith.addi %add3A, %add3A_145 : i32
    %dma_start3A_147 = arith.constant 3 : i32
    %dma_start3A_148 = arith.constant 0 : i32
    %dma_start3A_149 = arith.constant 0 : i32
    %dma_start3A_150 = tpu.memref_slice %arg7[%dma_start3A_147, %dma_start3A_148, %dma_start3A_149] : memref<6x16x1024xf32, #tpu.memory_space<vmem>> -> memref<1x16x1024xf32, #tpu.memory_space<vmem>>
    %dma_start3A_151 = tpu.memref_squeeze %dma_start3A_150 : memref<1x16x1024xf32, #tpu.memory_space<vmem>> -> memref<16x1024xf32, #tpu.memory_space<vmem>>
    %dma_start3A_152 = arith.constant 0 : i32
    %dma_start3A_153 = tpu.memref_slice %arg2[%add3A_146, %dma_start3A_152] : memref<151936x1024xf32, #tpu.memory_space<hbm>> -> memref<16x1024xf32, #tpu.memory_space<hbm>>
    %dma_start3A_154 = arith.constant 0 : i32
    %dma_start3A_155 = arith.constant 0 : i32
    %dma_start3A_156 = tpu.memref_slice %arg7[%dma_start3A_147, %dma_start3A_154, %dma_start3A_155] : memref<6x16x1024xf32, #tpu.memory_space<vmem>> -> memref<1x16x1024xf32, #tpu.memory_space<vmem>>
    %dma_start3A_157 = tpu.memref_squeeze %dma_start3A_156 : memref<1x16x1024xf32, #tpu.memory_space<vmem>> -> memref<16x1024xf32, #tpu.memory_space<vmem>>
    %dma_start3A_158 = arith.constant 0 : i32
    %dma_start3A_159 = tpu.memref_slice %arg2[%add3A_146, %dma_start3A_158] : memref<151936x1024xf32, #tpu.memory_space<hbm>> -> memref<16x1024xf32, #tpu.memory_space<hbm>>
    tpu.enqueue_dma source(%dma_start3A_159 : memref<16x1024xf32, #tpu.memory_space<hbm>>) target(%dma_start3A_157 : memref<16x1024xf32, #tpu.memory_space<vmem>>) target_semaphore(%arg17 : memref<!tpu.dma_semaphore, #tpu.memory_space<semaphore_mem>>)
    %add3A_160 = arith.constant 64 : i32
    %add3A_161 = arith.addi %add3A, %add3A_160 : i32
    %dma_start3A_162 = arith.constant 4 : i32
    %dma_start3A_163 = arith.constant 0 : i32
    %dma_start3A_164 = arith.constant 0 : i32
    %dma_start3A_165 = tpu.memref_slice %arg7[%dma_start3A_162, %dma_start3A_163, %dma_start3A_164] : memref<6x16x1024xf32, #tpu.memory_space<vmem>> -> memref<1x16x1024xf32, #tpu.memory_space<vmem>>
    %dma_start3A_166 = tpu.memref_squeeze %dma_start3A_165 : memref<1x16x1024xf32, #tpu.memory_space<vmem>> -> memref<16x1024xf32, #tpu.memory_space<vmem>>
    %dma_start3A_167 = arith.constant 0 : i32
    %dma_start3A_168 = tpu.memref_slice %arg2[%add3A_161, %dma_start3A_167] : memref<151936x1024xf32, #tpu.memory_space<hbm>> -> memref<16x1024xf32, #tpu.memory_space<hbm>>
    %dma_start3A_169 = arith.constant 0 : i32
    %dma_start3A_170 = arith.constant 0 : i32
    %dma_start3A_171 = tpu.memref_slice %arg7[%dma_start3A_162, %dma_start3A_169, %dma_start3A_170] : memref<6x16x1024xf32, #tpu.memory_space<vmem>> -> memref<1x16x1024xf32, #tpu.memory_space<vmem>>
    %dma_start3A_172 = tpu.memref_squeeze %dma_start3A_171 : memref<1x16x1024xf32, #tpu.memory_space<vmem>> -> memref<16x1024xf32, #tpu.memory_space<vmem>>
    %dma_start3A_173 = arith.constant 0 : i32
    %dma_start3A_174 = tpu.memref_slice %arg2[%add3A_161, %dma_start3A_173] : memref<151936x1024xf32, #tpu.memory_space<hbm>> -> memref<16x1024xf32, #tpu.memory_space<hbm>>
    tpu.enqueue_dma source(%dma_start3A_174 : memref<16x1024xf32, #tpu.memory_space<hbm>>) target(%dma_start3A_172 : memref<16x1024xf32, #tpu.memory_space<vmem>>) target_semaphore(%arg18 : memref<!tpu.dma_semaphore, #tpu.memory_space<semaphore_mem>>)
    %add3A_175 = arith.constant 80 : i32
    %add3A_176 = arith.addi %add3A, %add3A_175 : i32
    %dma_start3A_177 = arith.constant 5 : i32
    %dma_start3A_178 = arith.constant 0 : i32
    %dma_start3A_179 = arith.constant 0 : i32
    %dma_start3A_180 = tpu.memref_slice %arg7[%dma_start3A_177, %dma_start3A_178, %dma_start3A_179] : memref<6x16x1024xf32, #tpu.memory_space<vmem>> -> memref<1x16x1024xf32, #tpu.memory_space<vmem>>
    %dma_start3A_181 = tpu.memref_squeeze %dma_start3A_180 : memref<1x16x1024xf32, #tpu.memory_space<vmem>> -> memref<16x1024xf32, #tpu.memory_space<vmem>>
    %dma_start3A_182 = arith.constant 0 : i32
    %dma_start3A_183 = tpu.memref_slice %arg2[%add3A_176, %dma_start3A_182] : memref<151936x1024xf32, #tpu.memory_space<hbm>> -> memref<16x1024xf32, #tpu.memory_space<hbm>>
    %dma_start3A_184 = arith.constant 0 : i32
    %dma_start3A_185 = arith.constant 0 : i32
    %dma_start3A_186 = tpu.memref_slice %arg7[%dma_start3A_177, %dma_start3A_184, %dma_start3A_185] : memref<6x16x1024xf32, #tpu.memory_space<vmem>> -> memref<1x16x1024xf32, #tpu.memory_space<vmem>>
    %dma_start3A_187 = tpu.memref_squeeze %dma_start3A_186 : memref<1x16x1024xf32, #tpu.memory_space<vmem>> -> memref<16x1024xf32, #tpu.memory_space<vmem>>
    %dma_start3A_188 = arith.constant 0 : i32
    %dma_start3A_189 = tpu.memref_slice %arg2[%add3A_176, %dma_start3A_188] : memref<151936x1024xf32, #tpu.memory_space<hbm>> -> memref<16x1024xf32, #tpu.memory_space<hbm>>
    tpu.enqueue_dma source(%dma_start3A_189 : memref<16x1024xf32, #tpu.memory_space<hbm>>) target(%dma_start3A_187 : memref<16x1024xf32, #tpu.memory_space<vmem>>) target_semaphore(%arg19 : memref<!tpu.dma_semaphore, #tpu.memory_space<semaphore_mem>>)
    %dma_wait3A = arith.constant 0 : i32
    %dma_wait3A_190 = arith.constant 0 : i32
    %dma_wait3A_191 = arith.constant 0 : i32
    %dma_wait3A_192 = tpu.memref_slice %arg7[%dma_wait3A, %dma_wait3A_190, %dma_wait3A_191] : memref<6x16x1024xf32, #tpu.memory_space<vmem>> -> memref<1x16x1024xf32, #tpu.memory_space<vmem>>
    %dma_wait3A_193 = tpu.memref_squeeze %dma_wait3A_192 : memref<1x16x1024xf32, #tpu.memory_space<vmem>> -> memref<16x1024xf32, #tpu.memory_space<vmem>>
    %dma_wait3A_194 = arith.constant 0 : i32
    %dma_wait3A_195 = tpu.memref_slice %arg2[%add3A_102, %dma_wait3A_194] : memref<151936x1024xf32, #tpu.memory_space<hbm>> -> memref<16x1024xf32, #tpu.memory_space<hbm>>
    %dma_wait3A_196 = arith.constant 0 : i32
    %dma_wait3A_197 = arith.constant 0 : i32
    %dma_wait3A_198 = tpu.memref_slice %arg7[%dma_wait3A, %dma_wait3A_196, %dma_wait3A_197] : memref<6x16x1024xf32, #tpu.memory_space<vmem>> -> memref<1x16x1024xf32, #tpu.memory_space<vmem>>
    %dma_wait3A_199 = tpu.memref_squeeze %dma_wait3A_198 : memref<1x16x1024xf32, #tpu.memory_space<vmem>> -> memref<16x1024xf32, #tpu.memory_space<vmem>>
    %dma_wait3A_200 = arith.constant 0 : i32
    %dma_wait3A_201 = tpu.memref_slice %arg2[%add3A_102, %dma_wait3A_200] : memref<151936x1024xf32, #tpu.memory_space<hbm>> -> memref<16x1024xf32, #tpu.memory_space<hbm>>
    tpu.wait_dma2 semaphore(%arg14 : memref<!tpu.dma_semaphore, #tpu.memory_space<semaphore_mem>>) src(%dma_wait3A_201 : memref<16x1024xf32, #tpu.memory_space<hbm>>) dst(%dma_wait3A_199 : memref<16x1024xf32, #tpu.memory_space<vmem>>)
    %add3A_202 = arith.constant 96 : i32
    %add3A_203 = arith.addi %add3A, %add3A_202 : i32
    %dma_start3A_204 = arith.constant 0 : i32
    %dma_start3A_205 = arith.constant 0 : i32
    %dma_start3A_206 = arith.constant 0 : i32
    %dma_start3A_207 = tpu.memref_slice %arg7[%dma_start3A_204, %dma_start3A_205, %dma_start3A_206] : memref<6x16x1024xf32, #tpu.memory_space<vmem>> -> memref<1x16x1024xf32, #tpu.memory_space<vmem>>
    %dma_start3A_208 = tpu.memref_squeeze %dma_start3A_207 : memref<1x16x1024xf32, #tpu.memory_space<vmem>> -> memref<16x1024xf32, #tpu.memory_space<vmem>>
    %dma_start3A_209 = arith.constant 0 : i32
    %dma_start3A_210 = tpu.memref_slice %arg2[%add3A_203, %dma_start3A_209] : memref<151936x1024xf32, #tpu.memory_space<hbm>> -> memref<16x1024xf32, #tpu.memory_space<hbm>>
    %dma_start3A_211 = arith.constant 0 : i32
    %dma_start3A_212 = arith.constant 0 : i32
    %dma_start3A_213 = tpu.memref_slice %arg7[%dma_start3A_204, %dma_start3A_211, %dma_start3A_212] : memref<6x16x1024xf32, #tpu.memory_space<vmem>> -> memref<1x16x1024xf32, #tpu.memory_space<vmem>>
    %dma_start3A_214 = tpu.memref_squeeze %dma_start3A_213 : memref<1x16x1024xf32, #tpu.memory_space<vmem>> -> memref<16x1024xf32, #tpu.memory_space<vmem>>
    %dma_start3A_215 = arith.constant 0 : i32
    %dma_start3A_216 = tpu.memref_slice %arg2[%add3A_203, %dma_start3A_215] : memref<151936x1024xf32, #tpu.memory_space<hbm>> -> memref<16x1024xf32, #tpu.memory_space<hbm>>
    tpu.enqueue_dma source(%dma_start3A_216 : memref<16x1024xf32, #tpu.memory_space<hbm>>) target(%dma_start3A_214 : memref<16x1024xf32, #tpu.memory_space<vmem>>) target_semaphore(%arg14 : memref<!tpu.dma_semaphore, #tpu.memory_space<semaphore_mem>>)
    %dma_wait3A_217 = arith.constant 1 : i32
    %dma_wait3A_218 = arith.constant 0 : i32
    %dma_wait3A_219 = arith.constant 0 : i32
    %dma_wait3A_220 = tpu.memref_slice %arg7[%dma_wait3A_217, %dma_wait3A_218, %dma_wait3A_219] : memref<6x16x1024xf32, #tpu.memory_space<vmem>> -> memref<1x16x1024xf32, #tpu.memory_space<vmem>>
    %dma_wait3A_221 = tpu.memref_squeeze %dma_wait3A_220 : memref<1x16x1024xf32, #tpu.memory_space<vmem>> -> memref<16x1024xf32, #tpu.memory_space<vmem>>
    %dma_wait3A_222 = arith.constant 0 : i32
    %dma_wait3A_223 = tpu.memref_slice %arg2[%add3A_116, %dma_wait3A_222] : memref<151936x1024xf32, #tpu.memory_space<hbm>> -> memref<16x1024xf32, #tpu.memory_space<hbm>>
    %dma_wait3A_224 = arith.constant 0 : i32
    %dma_wait3A_225 = arith.constant 0 : i32
    %dma_wait3A_226 = tpu.memref_slice %arg7[%dma_wait3A_217, %dma_wait3A_224, %dma_wait3A_225] : memref<6x16x1024xf32, #tpu.memory_space<vmem>> -> memref<1x16x1024xf32, #tpu.memory_space<vmem>>
    %dma_wait3A_227 = tpu.memref_squeeze %dma_wait3A_226 : memref<1x16x1024xf32, #tpu.memory_space<vmem>> -> memref<16x1024xf32, #tpu.memory_space<vmem>>
    %dma_wait3A_228 = arith.constant 0 : i32
    %dma_wait3A_229 = tpu.memref_slice %arg2[%add3A_116, %dma_wait3A_228] : memref<151936x1024xf32, #tpu.memory_space<hbm>> -> memref<16x1024xf32, #tpu.memory_space<hbm>>
    tpu.wait_dma2 semaphore(%arg15 : memref<!tpu.dma_semaphore, #tpu.memory_space<semaphore_mem>>) src(%dma_wait3A_229 : memref<16x1024xf32, #tpu.memory_space<hbm>>) dst(%dma_wait3A_227 : memref<16x1024xf32, #tpu.memory_space<vmem>>)
    %add3A_230 = arith.constant 112 : i32
    %add3A_231 = arith.addi %add3A, %add3A_230 : i32
    %dma_start3A_232 = arith.constant 1 : i32
    %dma_start3A_233 = arith.constant 0 : i32
    %dma_start3A_234 = arith.constant 0 : i32
    %dma_start3A_235 = tpu.memref_slice %arg7[%dma_start3A_232, %dma_start3A_233, %dma_start3A_234] : memref<6x16x1024xf32, #tpu.memory_space<vmem>> -> memref<1x16x1024xf32, #tpu.memory_space<vmem>>
    %dma_start3A_236 = tpu.memref_squeeze %dma_start3A_235 : memref<1x16x1024xf32, #tpu.memory_space<vmem>> -> memref<16x1024xf32, #tpu.memory_space<vmem>>
    %dma_start3A_237 = arith.constant 0 : i32
    %dma_start3A_238 = tpu.memref_slice %arg2[%add3A_231, %dma_start3A_237] : memref<151936x1024xf32, #tpu.memory_space<hbm>> -> memref<16x1024xf32, #tpu.memory_space<hbm>>
    %dma_start3A_239 = arith.constant 0 : i32
    %dma_start3A_240 = arith.constant 0 : i32
    %dma_start3A_241 = tpu.memref_slice %arg7[%dma_start3A_232, %dma_start3A_239, %dma_start3A_240] : memref<6x16x1024xf32, #tpu.memory_space<vmem>> -> memref<1x16x1024xf32, #tpu.memory_space<vmem>>
    %dma_start3A_242 = tpu.memref_squeeze %dma_start3A_241 : memref<1x16x1024xf32, #tpu.memory_space<vmem>> -> memref<16x1024xf32, #tpu.memory_space<vmem>>
    %dma_start3A_243 = arith.constant 0 : i32
    %dma_start3A_244 = tpu.memref_slice %arg2[%add3A_231, %dma_start3A_243] : memref<151936x1024xf32, #tpu.memory_space<hbm>> -> memref<16x1024xf32, #tpu.memory_space<hbm>>
    tpu.enqueue_dma source(%dma_start3A_244 : memref<16x1024xf32, #tpu.memory_space<hbm>>) target(%dma_start3A_242 : memref<16x1024xf32, #tpu.memory_space<vmem>>) target_semaphore(%arg15 : memref<!tpu.dma_semaphore, #tpu.memory_space<semaphore_mem>>)
    %dma_wait3A_245 = arith.constant 2 : i32
    %dma_wait3A_246 = arith.constant 0 : i32
    %dma_wait3A_247 = arith.constant 0 : i32
    %dma_wait3A_248 = tpu.memref_slice %arg7[%dma_wait3A_245, %dma_wait3A_246, %dma_wait3A_247] : memref<6x16x1024xf32, #tpu.memory_space<vmem>> -> memref<1x16x1024xf32, #tpu.memory_space<vmem>>
    %dma_wait3A_249 = tpu.memref_squeeze %dma_wait3A_248 : memref<1x16x1024xf32, #tpu.memory_space<vmem>> -> memref<16x1024xf32, #tpu.memory_space<vmem>>
    %dma_wait3A_250 = arith.constant 0 : i32
    %dma_wait3A_251 = tpu.memref_slice %arg2[%add3A_131, %dma_wait3A_250] : memref<151936x1024xf32, #tpu.memory_space<hbm>> -> memref<16x1024xf32, #tpu.memory_space<hbm>>
    %dma_wait3A_252 = arith.constant 0 : i32
    %dma_wait3A_253 = arith.constant 0 : i32
    %dma_wait3A_254 = tpu.memref_slice %arg7[%dma_wait3A_245, %dma_wait3A_252, %dma_wait3A_253] : memref<6x16x1024xf32, #tpu.memory_space<vmem>> -> memref<1x16x1024xf32, #tpu.memory_space<vmem>>
    %dma_wait3A_255 = tpu.memref_squeeze %dma_wait3A_254 : memref<1x16x1024xf32, #tpu.memory_space<vmem>> -> memref<16x1024xf32, #tpu.memory_space<vmem>>
    %dma_wait3A_256 = arith.constant 0 : i32
    %dma_wait3A_257 = tpu.memref_slice %arg2[%add3A_131, %dma_wait3A_256] : memref<151936x1024xf32, #tpu.memory_space<hbm>> -> memref<16x1024xf32, #tpu.memory_space<hbm>>
    tpu.wait_dma2 semaphore(%arg16 : memref<!tpu.dma_semaphore, #tpu.memory_space<semaphore_mem>>) src(%dma_wait3A_257 : memref<16x1024xf32, #tpu.memory_space<hbm>>) dst(%dma_wait3A_255 : memref<16x1024xf32, #tpu.memory_space<vmem>>)
    %add3A_258 = arith.constant 128 : i32
    %add3A_259 = arith.addi %add3A, %add3A_258 : i32
    %dma_start3A_260 = arith.constant 2 : i32
    %dma_start3A_261 = arith.constant 0 : i32
    %dma_start3A_262 = arith.constant 0 : i32
    %dma_start3A_263 = tpu.memref_slice %arg7[%dma_start3A_260, %dma_start3A_261, %dma_start3A_262] : memref<6x16x1024xf32, #tpu.memory_space<vmem>> -> memref<1x16x1024xf32, #tpu.memory_space<vmem>>
    %dma_start3A_264 = tpu.memref_squeeze %dma_start3A_263 : memref<1x16x1024xf32, #tpu.memory_space<vmem>> -> memref<16x1024xf32, #tpu.memory_space<vmem>>
    %dma_start3A_265 = arith.constant 0 : i32
    %dma_start3A_266 = tpu.memref_slice %arg2[%add3A_259, %dma_start3A_265] : memref<151936x1024xf32, #tpu.memory_space<hbm>> -> memref<16x1024xf32, #tpu.memory_space<hbm>>
    %dma_start3A_267 = arith.constant 0 : i32
    %dma_start3A_268 = arith.constant 0 : i32
    %dma_start3A_269 = tpu.memref_slice %arg7[%dma_start3A_260, %dma_start3A_267, %dma_start3A_268] : memref<6x16x1024xf32, #tpu.memory_space<vmem>> -> memref<1x16x1024xf32, #tpu.memory_space<vmem>>
    %dma_start3A_270 = tpu.memref_squeeze %dma_start3A_269 : memref<1x16x1024xf32, #tpu.memory_space<vmem>> -> memref<16x1024xf32, #tpu.memory_space<vmem>>
    %dma_start3A_271 = arith.constant 0 : i32
    %dma_start3A_272 = tpu.memref_slice %arg2[%add3A_259, %dma_start3A_271] : memref<151936x1024xf32, #tpu.memory_space<hbm>> -> memref<16x1024xf32, #tpu.memory_space<hbm>>
    tpu.enqueue_dma source(%dma_start3A_272 : memref<16x1024xf32, #tpu.memory_space<hbm>>) target(%dma_start3A_270 : memref<16x1024xf32, #tpu.memory_space<vmem>>) target_semaphore(%arg16 : memref<!tpu.dma_semaphore, #tpu.memory_space<semaphore_mem>>)
    %dma_wait3A_273 = arith.constant 3 : i32
    %dma_wait3A_274 = arith.constant 0 : i32
    %dma_wait3A_275 = arith.constant 0 : i32
    %dma_wait3A_276 = tpu.memref_slice %arg7[%dma_wait3A_273, %dma_wait3A_274, %dma_wait3A_275] : memref<6x16x1024xf32, #tpu.memory_space<vmem>> -> memref<1x16x1024xf32, #tpu.memory_space<vmem>>
    %dma_wait3A_277 = tpu.memref_squeeze %dma_wait3A_276 : memref<1x16x1024xf32, #tpu.memory_space<vmem>> -> memref<16x1024xf32, #tpu.memory_space<vmem>>
    %dma_wait3A_278 = arith.constant 0 : i32
    %dma_wait3A_279 = tpu.memref_slice %arg2[%add3A_146, %dma_wait3A_278] : memref<151936x1024xf32, #tpu.memory_space<hbm>> -> memref<16x1024xf32, #tpu.memory_space<hbm>>
    %dma_wait3A_280 = arith.constant 0 : i32
    %dma_wait3A_281 = arith.constant 0 : i32
    %dma_wait3A_282 = tpu.memref_slice %arg7[%dma_wait3A_273, %dma_wait3A_280, %dma_wait3A_281] : memref<6x16x1024xf32, #tpu.memory_space<vmem>> -> memref<1x16x1024xf32, #tpu.memory_space<vmem>>
    %dma_wait3A_283 = tpu.memref_squeeze %dma_wait3A_282 : memref<1x16x1024xf32, #tpu.memory_space<vmem>> -> memref<16x1024xf32, #tpu.memory_space<vmem>>
    %dma_wait3A_284 = arith.constant 0 : i32
    %dma_wait3A_285 = tpu.memref_slice %arg2[%add3A_146, %dma_wait3A_284] : memref<151936x1024xf32, #tpu.memory_space<hbm>> -> memref<16x1024xf32, #tpu.memory_space<hbm>>
    tpu.wait_dma2 semaphore(%arg17 : memref<!tpu.dma_semaphore, #tpu.memory_space<semaphore_mem>>) src(%dma_wait3A_285 : memref<16x1024xf32, #tpu.memory_space<hbm>>) dst(%dma_wait3A_283 : memref<16x1024xf32, #tpu.memory_space<vmem>>)
    %add3A_286 = arith.constant 144 : i32
    %add3A_287 = arith.addi %add3A, %add3A_286 : i32
    %dma_start3A_288 = arith.constant 3 : i32
    %dma_start3A_289 = arith.constant 0 : i32
    %dma_start3A_290 = arith.constant 0 : i32
    %dma_start3A_291 = tpu.memref_slice %arg7[%dma_start3A_288, %dma_start3A_289, %dma_start3A_290] : memref<6x16x1024xf32, #tpu.memory_space<vmem>> -> memref<1x16x1024xf32, #tpu.memory_space<vmem>>
    %dma_start3A_292 = tpu.memref_squeeze %dma_start3A_291 : memref<1x16x1024xf32, #tpu.memory_space<vmem>> -> memref<16x1024xf32, #tpu.memory_space<vmem>>
    %dma_start3A_293 = arith.constant 0 : i32
    %dma_start3A_294 = tpu.memref_slice %arg2[%add3A_287, %dma_start3A_293] : memref<151936x1024xf32, #tpu.memory_space<hbm>> -> memref<16x1024xf32, #tpu.memory_space<hbm>>
    %dma_start3A_295 = arith.constant 0 : i32
    %dma_start3A_296 = arith.constant 0 : i32
    %dma_start3A_297 = tpu.memref_slice %arg7[%dma_start3A_288, %dma_start3A_295, %dma_start3A_296] : memref<6x16x1024xf32, #tpu.memory_space<vmem>> -> memref<1x16x1024xf32, #tpu.memory_space<vmem>>
    %dma_start3A_298 = tpu.memref_squeeze %dma_start3A_297 : memref<1x16x1024xf32, #tpu.memory_space<vmem>> -> memref<16x1024xf32, #tpu.memory_space<vmem>>
    %dma_start3A_299 = arith.constant 0 : i32
    %dma_start3A_300 = tpu.memref_slice %arg2[%add3A_287, %dma_start3A_299] : memref<151936x1024xf32, #tpu.memory_space<hbm>> -> memref<16x1024xf32, #tpu.memory_space<hbm>>
    tpu.enqueue_dma source(%dma_start3A_300 : memref<16x1024xf32, #tpu.memory_space<hbm>>) target(%dma_start3A_298 : memref<16x1024xf32, #tpu.memory_space<vmem>>) target_semaphore(%arg17 : memref<!tpu.dma_semaphore, #tpu.memory_space<semaphore_mem>>)
    %dma_wait3A_301 = arith.constant 4 : i32
    %dma_wait3A_302 = arith.constant 0 : i32
    %dma_wait3A_303 = arith.constant 0 : i32
    %dma_wait3A_304 = tpu.memref_slice %arg7[%dma_wait3A_301, %dma_wait3A_302, %dma_wait3A_303] : memref<6x16x1024xf32, #tpu.memory_space<vmem>> -> memref<1x16x1024xf32, #tpu.memory_space<vmem>>
    %dma_wait3A_305 = tpu.memref_squeeze %dma_wait3A_304 : memref<1x16x1024xf32, #tpu.memory_space<vmem>> -> memref<16x1024xf32, #tpu.memory_space<vmem>>
    %dma_wait3A_306 = arith.constant 0 : i32
    %dma_wait3A_307 = tpu.memref_slice %arg2[%add3A_161, %dma_wait3A_306] : memref<151936x1024xf32, #tpu.memory_space<hbm>> -> memref<16x1024xf32, #tpu.memory_space<hbm>>
    %dma_wait3A_308 = arith.constant 0 : i32
    %dma_wait3A_309 = arith.constant 0 : i32
    %dma_wait3A_310 = tpu.memref_slice %arg7[%dma_wait3A_301, %dma_wait3A_308, %dma_wait3A_309] : memref<6x16x1024xf32, #tpu.memory_space<vmem>> -> memref<1x16x1024xf32, #tpu.memory_space<vmem>>
    %dma_wait3A_311 = tpu.memref_squeeze %dma_wait3A_310 : memref<1x16x1024xf32, #tpu.memory_space<vmem>> -> memref<16x1024xf32, #tpu.memory_space<vmem>>
    %dma_wait3A_312 = arith.constant 0 : i32
    %dma_wait3A_313 = tpu.memref_slice %arg2[%add3A_161, %dma_wait3A_312] : memref<151936x1024xf32, #tpu.memory_space<hbm>> -> memref<16x1024xf32, #tpu.memory_space<hbm>>
    tpu.wait_dma2 semaphore(%arg18 : memref<!tpu.dma_semaphore, #tpu.memory_space<semaphore_mem>>) src(%dma_wait3A_313 : memref<16x1024xf32, #tpu.memory_space<hbm>>) dst(%dma_wait3A_311 : memref<16x1024xf32, #tpu.memory_space<vmem>>)
    %add3A_314 = arith.constant 160 : i32
    %add3A_315 = arith.addi %add3A, %add3A_314 : i32
    %dma_start3A_316 = arith.constant 4 : i32
    %dma_start3A_317 = arith.constant 0 : i32
    %dma_start3A_318 = arith.constant 0 : i32
    %dma_start3A_319 = tpu.memref_slice %arg7[%dma_start3A_316, %dma_start3A_317, %dma_start3A_318] : memref<6x16x1024xf32, #tpu.memory_space<vmem>> -> memref<1x16x1024xf32, #tpu.memory_space<vmem>>
    %dma_start3A_320 = tpu.memref_squeeze %dma_start3A_319 : memref<1x16x1024xf32, #tpu.memory_space<vmem>> -> memref<16x1024xf32, #tpu.memory_space<vmem>>
    %dma_start3A_321 = arith.constant 0 : i32
    %dma_start3A_322 = tpu.memref_slice %arg2[%add3A_315, %dma_start3A_321] : memref<151936x1024xf32, #tpu.memory_space<hbm>> -> memref<16x1024xf32, #tpu.memory_space<hbm>>
    %dma_start3A_323 = arith.constant 0 : i32
    %dma_start3A_324 = arith.constant 0 : i32
    %dma_start3A_325 = tpu.memref_slice %arg7[%dma_start3A_316, %dma_start3A_323, %dma_start3A_324] : memref<6x16x1024xf32, #tpu.memory_space<vmem>> -> memref<1x16x1024xf32, #tpu.memory_space<vmem>>
    %dma_start3A_326 = tpu.memref_squeeze %dma_start3A_325 : memref<1x16x1024xf32, #tpu.memory_space<vmem>> -> memref<16x1024xf32, #tpu.memory_space<vmem>>
    %dma_start3A_327 = arith.constant 0 : i32
    %dma_start3A_328 = tpu.memref_slice %arg2[%add3A_315, %dma_start3A_327] : memref<151936x1024xf32, #tpu.memory_space<hbm>> -> memref<16x1024xf32, #tpu.memory_space<hbm>>
    tpu.enqueue_dma source(%dma_start3A_328 : memref<16x1024xf32, #tpu.memory_space<hbm>>) target(%dma_start3A_326 : memref<16x1024xf32, #tpu.memory_space<vmem>>) target_semaphore(%arg18 : memref<!tpu.dma_semaphore, #tpu.memory_space<semaphore_mem>>)
    %dma_wait3A_329 = arith.constant 5 : i32
    %dma_wait3A_330 = arith.constant 0 : i32
    %dma_wait3A_331 = arith.constant 0 : i32
    %dma_wait3A_332 = tpu.memref_slice %arg7[%dma_wait3A_329, %dma_wait3A_330, %dma_wait3A_331] : memref<6x16x1024xf32, #tpu.memory_space<vmem>> -> memref<1x16x1024xf32, #tpu.memory_space<vmem>>
    %dma_wait3A_333 = tpu.memref_squeeze %dma_wait3A_332 : memref<1x16x1024xf32, #tpu.memory_space<vmem>> -> memref<16x1024xf32, #tpu.memory_space<vmem>>
    %dma_wait3A_334 = arith.constant 0 : i32
    %dma_wait3A_335 = tpu.memref_slice %arg2[%add3A_176, %dma_wait3A_334] : memref<151936x1024xf32, #tpu.memory_space<hbm>> -> memref<16x1024xf32, #tpu.memory_space<hbm>>
    %dma_wait3A_336 = arith.constant 0 : i32
    %dma_wait3A_337 = arith.constant 0 : i32
    %dma_wait3A_338 = tpu.memref_slice %arg7[%dma_wait3A_329, %dma_wait3A_336, %dma_wait3A_337] : memref<6x16x1024xf32, #tpu.memory_space<vmem>> -> memref<1x16x1024xf32, #tpu.memory_space<vmem>>
    %dma_wait3A_339 = tpu.memref_squeeze %dma_wait3A_338 : memref<1x16x1024xf32, #tpu.memory_space<vmem>> -> memref<16x1024xf32, #tpu.memory_space<vmem>>
    %dma_wait3A_340 = arith.constant 0 : i32
    %dma_wait3A_341 = tpu.memref_slice %arg2[%add3A_176, %dma_wait3A_340] : memref<151936x1024xf32, #tpu.memory_space<hbm>> -> memref<16x1024xf32, #tpu.memory_space<hbm>>
    tpu.wait_dma2 semaphore(%arg19 : memref<!tpu.dma_semaphore, #tpu.memory_space<semaphore_mem>>) src(%dma_wait3A_341 : memref<16x1024xf32, #tpu.memory_space<hbm>>) dst(%dma_wait3A_339 : memref<16x1024xf32, #tpu.memory_space<vmem>>)
    %add3A_342 = arith.constant 176 : i32
    %add3A_343 = arith.addi %add3A, %add3A_342 : i32
    %dma_start3A_344 = arith.constant 5 : i32
    %dma_start3A_345 = arith.constant 0 : i32
    %dma_start3A_346 = arith.constant 0 : i32
    %dma_start3A_347 = tpu.memref_slice %arg7[%dma_start3A_344, %dma_start3A_345, %dma_start3A_346] : memref<6x16x1024xf32, #tpu.memory_space<vmem>> -> memref<1x16x1024xf32, #tpu.memory_space<vmem>>
    %dma_start3A_348 = tpu.memref_squeeze %dma_start3A_347 : memref<1x16x1024xf32, #tpu.memory_space<vmem>> -> memref<16x1024xf32, #tpu.memory_space<vmem>>
    %dma_start3A_349 = arith.constant 0 : i32
    %dma_start3A_350 = tpu.memref_slice %arg2[%add3A_343, %dma_start3A_349] : memref<151936x1024xf32, #tpu.memory_space<hbm>> -> memref<16x1024xf32, #tpu.memory_space<hbm>>
    %dma_start3A_351 = arith.constant 0 : i32
    %dma_start3A_352 = arith.constant 0 : i32
    %dma_start3A_353 = tpu.memref_slice %arg7[%dma_start3A_344, %dma_start3A_351, %dma_start3A_352] : memref<6x16x1024xf32, #tpu.memory_space<vmem>> -> memref<1x16x1024xf32, #tpu.memory_space<vmem>>
    %dma_start3A_354 = tpu.memref_squeeze %dma_start3A_353 : memref<1x16x1024xf32, #tpu.memory_space<vmem>> -> memref<16x1024xf32, #tpu.memory_space<vmem>>
    %dma_start3A_355 = arith.constant 0 : i32
    %dma_start3A_356 = tpu.memref_slice %arg2[%add3A_343, %dma_start3A_355] : memref<151936x1024xf32, #tpu.memory_space<hbm>> -> memref<16x1024xf32, #tpu.memory_space<hbm>>
    tpu.enqueue_dma source(%dma_start3A_356 : memref<16x1024xf32, #tpu.memory_space<hbm>>) target(%dma_start3A_354 : memref<16x1024xf32, #tpu.memory_space<vmem>>) target_semaphore(%arg19 : memref<!tpu.dma_semaphore, #tpu.memory_space<semaphore_mem>>)
    %dma_wait3A_357 = arith.constant 0 : i32
    %dma_wait3A_358 = arith.constant 0 : i32
    %dma_wait3A_359 = arith.constant 0 : i32
    %dma_wait3A_360 = tpu.memref_slice %arg7[%dma_wait3A_357, %dma_wait3A_358, %dma_wait3A_359] : memref<6x16x1024xf32, #tpu.memory_space<vmem>> -> memref<1x16x1024xf32, #tpu.memory_space<vmem>>
    %dma_wait3A_361 = tpu.memref_squeeze %dma_wait3A_360 : memref<1x16x1024xf32, #tpu.memory_space<vmem>> -> memref<16x1024xf32, #tpu.memory_space<vmem>>
    %dma_wait3A_362 = arith.constant 0 : i32
    %dma_wait3A_363 = tpu.memref_slice %arg2[%add3A_203, %dma_wait3A_362] : memref<151936x1024xf32, #tpu.memory_space<hbm>> -> memref<16x1024xf32, #tpu.memory_space<hbm>>
    %dma_wait3A_364 = arith.constant 0 : i32
    %dma_wait3A_365 = arith.constant 0 : i32
    %dma_wait3A_366 = tpu.memref_slice %arg7[%dma_wait3A_357, %dma_wait3A_364, %dma_wait3A_365] : memref<6x16x1024xf32, #tpu.memory_space<vmem>> -> memref<1x16x1024xf32, #tpu.memory_space<vmem>>
    %dma_wait3A_367 = tpu.memref_squeeze %dma_wait3A_366 : memref<1x16x1024xf32, #tpu.memory_space<vmem>> -> memref<16x1024xf32, #tpu.memory_space<vmem>>
    %dma_wait3A_368 = arith.constant 0 : i32
    %dma_wait3A_369 = tpu.memref_slice %arg2[%add3A_203, %dma_wait3A_368] : memref<151936x1024xf32, #tpu.memory_space<hbm>> -> memref<16x1024xf32, #tpu.memory_space<hbm>>
    tpu.wait_dma2 semaphore(%arg14 : memref<!tpu.dma_semaphore, #tpu.memory_space<semaphore_mem>>) src(%dma_wait3A_369 : memref<16x1024xf32, #tpu.memory_space<hbm>>) dst(%dma_wait3A_367 : memref<16x1024xf32, #tpu.memory_space<vmem>>)
    %add3A_370 = arith.constant 192 : i32
    %add3A_371 = arith.addi %add3A, %add3A_370 : i32
    %dma_start3A_372 = arith.constant 0 : i32
    %dma_start3A_373 = arith.constant 0 : i32
    %dma_start3A_374 = arith.constant 0 : i32
    %dma_start3A_375 = tpu.memref_slice %arg7[%dma_start3A_372, %dma_start3A_373, %dma_start3A_374] : memref<6x16x1024xf32, #tpu.memory_space<vmem>> -> memref<1x16x1024xf32, #tpu.memory_space<vmem>>
    %dma_start3A_376 = tpu.memref_squeeze %dma_start3A_375 : memref<1x16x1024xf32, #tpu.memory_space<vmem>> -> memref<16x1024xf32, #tpu.memory_space<vmem>>
    %dma_start3A_377 = arith.constant 0 : i32
    %dma_start3A_378 = tpu.memref_slice %arg2[%add3A_371, %dma_start3A_377] : memref<151936x1024xf32, #tpu.memory_space<hbm>> -> memref<16x1024xf32, #tpu.memory_space<hbm>>
    %dma_start3A_379 = arith.constant 0 : i32
    %dma_start3A_380 = arith.constant 0 : i32
    %dma_start3A_381 = tpu.memref_slice %arg7[%dma_start3A_372, %dma_start3A_379, %dma_start3A_380] : memref<6x16x1024xf32, #tpu.memory_space<vmem>> -> memref<1x16x1024xf32, #tpu.memory_space<vmem>>
    %dma_start3A_382 = tpu.memref_squeeze %dma_start3A_381 : memref<1x16x1024xf32, #tpu.memory_space<vmem>> -> memref<16x1024xf32, #tpu.memory_space<vmem>>
    %dma_start3A_383 = arith.constant 0 : i32
    %dma_start3A_384 = tpu.memref_slice %arg2[%add3A_371, %dma_start3A_383] : memref<151936x1024xf32, #tpu.memory_space<hbm>> -> memref<16x1024xf32, #tpu.memory_space<hbm>>
    tpu.enqueue_dma source(%dma_start3A_384 : memref<16x1024xf32, #tpu.memory_space<hbm>>) target(%dma_start3A_382 : memref<16x1024xf32, #tpu.memory_space<vmem>>) target_semaphore(%arg14 : memref<!tpu.dma_semaphore, #tpu.memory_space<semaphore_mem>>)
    %dma_wait3A_385 = arith.constant 1 : i32
    %dma_wait3A_386 = arith.constant 0 : i32
    %dma_wait3A_387 = arith.constant 0 : i32
    %dma_wait3A_388 = tpu.memref_slice %arg7[%dma_wait3A_385, %dma_wait3A_386, %dma_wait3A_387] : memref<6x16x1024xf32, #tpu.memory_space<vmem>> -> memref<1x16x1024xf32, #tpu.memory_space<vmem>>
    %dma_wait3A_389 = tpu.memref_squeeze %dma_wait3A_388 : memref<1x16x1024xf32, #tpu.memory_space<vmem>> -> memref<16x1024xf32, #tpu.memory_space<vmem>>
    %dma_wait3A_390 = arith.constant 0 : i32
    %dma_wait3A_391 = tpu.memref_slice %arg2[%add3A_231, %dma_wait3A_390] : memref<151936x1024xf32, #tpu.memory_space<hbm>> -> memref<16x1024xf32, #tpu.memory_space<hbm>>
    %dma_wait3A_392 = arith.constant 0 : i32
    %dma_wait3A_393 = arith.constant 0 : i32
    %dma_wait3A_394 = tpu.memref_slice %arg7[%dma_wait3A_385, %dma_wait3A_392, %dma_wait3A_393] : memref<6x16x1024xf32, #tpu.memory_space<vmem>> -> memref<1x16x1024xf32, #tpu.memory_space<vmem>>
    %dma_wait3A_395 = tpu.memref_squeeze %dma_wait3A_394 : memref<1x16x1024xf32, #tpu.memory_space<vmem>> -> memref<16x1024xf32, #tpu.memory_space<vmem>>
    %dma_wait3A_396 = arith.constant 0 : i32
    %dma_wait3A_397 = tpu.memref_slice %arg2[%add3A_231, %dma_wait3A_396] : memref<151936x1024xf32, #tpu.memory_space<hbm>> -> memref<16x1024xf32, #tpu.memory_space<hbm>>
    tpu.wait_dma2 semaphore(%arg15 : memref<!tpu.dma_semaphore, #tpu.memory_space<semaphore_mem>>) src(%dma_wait3A_397 : memref<16x1024xf32, #tpu.memory_space<hbm>>) dst(%dma_wait3A_395 : memref<16x1024xf32, #tpu.memory_space<vmem>>)
    %add3A_398 = arith.constant 208 : i32
    %add3A_399 = arith.addi %add3A, %add3A_398 : i32
    %dma_start3A_400 = arith.constant 1 : i32
    %dma_start3A_401 = arith.constant 0 : i32
    %dma_start3A_402 = arith.constant 0 : i32
    %dma_start3A_403 = tpu.memref_slice %arg7[%dma_start3A_400, %dma_start3A_401, %dma_start3A_402] : memref<6x16x1024xf32, #tpu.memory_space<vmem>> -> memref<1x16x1024xf32, #tpu.memory_space<vmem>>
    %dma_start3A_404 = tpu.memref_squeeze %dma_start3A_403 : memref<1x16x1024xf32, #tpu.memory_space<vmem>> -> memref<16x1024xf32, #tpu.memory_space<vmem>>
    %dma_start3A_405 = arith.constant 0 : i32
    %dma_start3A_406 = tpu.memref_slice %arg2[%add3A_399, %dma_start3A_405] : memref<151936x1024xf32, #tpu.memory_space<hbm>> -> memref<16x1024xf32, #tpu.memory_space<hbm>>
    %dma_start3A_407 = arith.constant 0 : i32
    %dma_start3A_408 = arith.constant 0 : i32
    %dma_start3A_409 = tpu.memref_slice %arg7[%dma_start3A_400, %dma_start3A_407, %dma_start3A_408] : memref<6x16x1024xf32, #tpu.memory_space<vmem>> -> memref<1x16x1024xf32, #tpu.memory_space<vmem>>
    %dma_start3A_410 = tpu.memref_squeeze %dma_start3A_409 : memref<1x16x1024xf32, #tpu.memory_space<vmem>> -> memref<16x1024xf32, #tpu.memory_space<vmem>>
    %dma_start3A_411 = arith.constant 0 : i32
    %dma_start3A_412 = tpu.memref_slice %arg2[%add3A_399, %dma_start3A_411] : memref<151936x1024xf32, #tpu.memory_space<hbm>> -> memref<16x1024xf32, #tpu.memory_space<hbm>>
    tpu.enqueue_dma source(%dma_start3A_412 : memref<16x1024xf32, #tpu.memory_space<hbm>>) target(%dma_start3A_410 : memref<16x1024xf32, #tpu.memory_space<vmem>>) target_semaphore(%arg15 : memref<!tpu.dma_semaphore, #tpu.memory_space<semaphore_mem>>)
    %dma_wait3A_413 = arith.constant 2 : i32
    %dma_wait3A_414 = arith.constant 0 : i32
    %dma_wait3A_415 = arith.constant 0 : i32
    %dma_wait3A_416 = tpu.memref_slice %arg7[%dma_wait3A_413, %dma_wait3A_414, %dma_wait3A_415] : memref<6x16x1024xf32, #tpu.memory_space<vmem>> -> memref<1x16x1024xf32, #tpu.memory_space<vmem>>
    %dma_wait3A_417 = tpu.memref_squeeze %dma_wait3A_416 : memref<1x16x1024xf32, #tpu.memory_space<vmem>> -> memref<16x1024xf32, #tpu.memory_space<vmem>>
    %dma_wait3A_418 = arith.constant 0 : i32
    %dma_wait3A_419 = tpu.memref_slice %arg2[%add3A_259, %dma_wait3A_418] : memref<151936x1024xf32, #tpu.memory_space<hbm>> -> memref<16x1024xf32, #tpu.memory_space<hbm>>
    %dma_wait3A_420 = arith.constant 0 : i32
    %dma_wait3A_421 = arith.constant 0 : i32
    %dma_wait3A_422 = tpu.memref_slice %arg7[%dma_wait3A_413, %dma_wait3A_420, %dma_wait3A_421] : memref<6x16x1024xf32, #tpu.memory_space<vmem>> -> memref<1x16x1024xf32, #tpu.memory_space<vmem>>
    %dma_wait3A_423 = tpu.memref_squeeze %dma_wait3A_422 : memref<1x16x1024xf32, #tpu.memory_space<vmem>> -> memref<16x1024xf32, #tpu.memory_space<vmem>>
    %dma_wait3A_424 = arith.constant 0 : i32
    %dma_wait3A_425 = tpu.memref_slice %arg2[%add3A_259, %dma_wait3A_424] : memref<151936x1024xf32, #tpu.memory_space<hbm>> -> memref<16x1024xf32, #tpu.memory_space<hbm>>
    tpu.wait_dma2 semaphore(%arg16 : memref<!tpu.dma_semaphore, #tpu.memory_space<semaphore_mem>>) src(%dma_wait3A_425 : memref<16x1024xf32, #tpu.memory_space<hbm>>) dst(%dma_wait3A_423 : memref<16x1024xf32, #tpu.memory_space<vmem>>)
    %add3A_426 = arith.constant 224 : i32
    %add3A_427 = arith.addi %add3A, %add3A_426 : i32
    %dma_start3A_428 = arith.constant 2 : i32
    %dma_start3A_429 = arith.constant 0 : i32
    %dma_start3A_430 = arith.constant 0 : i32
    %dma_start3A_431 = tpu.memref_slice %arg7[%dma_start3A_428, %dma_start3A_429, %dma_start3A_430] : memref<6x16x1024xf32, #tpu.memory_space<vmem>> -> memref<1x16x1024xf32, #tpu.memory_space<vmem>>
    %dma_start3A_432 = tpu.memref_squeeze %dma_start3A_431 : memref<1x16x1024xf32, #tpu.memory_space<vmem>> -> memref<16x1024xf32, #tpu.memory_space<vmem>>
    %dma_start3A_433 = arith.constant 0 : i32
    %dma_start3A_434 = tpu.memref_slice %arg2[%add3A_427, %dma_start3A_433] : memref<151936x1024xf32, #tpu.memory_space<hbm>> -> memref<16x1024xf32, #tpu.memory_space<hbm>>
    %dma_start3A_435 = arith.constant 0 : i32
    %dma_start3A_436 = arith.constant 0 : i32
    %dma_start3A_437 = tpu.memref_slice %arg7[%dma_start3A_428, %dma_start3A_435, %dma_start3A_436] : memref<6x16x1024xf32, #tpu.memory_space<vmem>> -> memref<1x16x1024xf32, #tpu.memory_space<vmem>>
    %dma_start3A_438 = tpu.memref_squeeze %dma_start3A_437 : memref<1x16x1024xf32, #tpu.memory_space<vmem>> -> memref<16x1024xf32, #tpu.memory_space<vmem>>
    %dma_start3A_439 = arith.constant 0 : i32
    %dma_start3A_440 = tpu.memref_slice %arg2[%add3A_427, %dma_start3A_439] : memref<151936x1024xf32, #tpu.memory_space<hbm>> -> memref<16x1024xf32, #tpu.memory_space<hbm>>
    tpu.enqueue_dma source(%dma_start3A_440 : memref<16x1024xf32, #tpu.memory_space<hbm>>) target(%dma_start3A_438 : memref<16x1024xf32, #tpu.memory_space<vmem>>) target_semaphore(%arg16 : memref<!tpu.dma_semaphore, #tpu.memory_space<semaphore_mem>>)
    %dma_wait3A_441 = arith.constant 3 : i32
    %dma_wait3A_442 = arith.constant 0 : i32
    %dma_wait3A_443 = arith.constant 0 : i32
    %dma_wait3A_444 = tpu.memref_slice %arg7[%dma_wait3A_441, %dma_wait3A_442, %dma_wait3A_443] : memref<6x16x1024xf32, #tpu.memory_space<vmem>> -> memref<1x16x1024xf32, #tpu.memory_space<vmem>>
    %dma_wait3A_445 = tpu.memref_squeeze %dma_wait3A_444 : memref<1x16x1024xf32, #tpu.memory_space<vmem>> -> memref<16x1024xf32, #tpu.memory_space<vmem>>
    %dma_wait3A_446 = arith.constant 0 : i32
    %dma_wait3A_447 = tpu.memref_slice %arg2[%add3A_287, %dma_wait3A_446] : memref<151936x1024xf32, #tpu.memory_space<hbm>> -> memref<16x1024xf32, #tpu.memory_space<hbm>>
    %dma_wait3A_448 = arith.constant 0 : i32
    %dma_wait3A_449 = arith.constant 0 : i32
    %dma_wait3A_450 = tpu.memref_slice %arg7[%dma_wait3A_441, %dma_wait3A_448, %dma_wait3A_449] : memref<6x16x1024xf32, #tpu.memory_space<vmem>> -> memref<1x16x1024xf32, #tpu.memory_space<vmem>>
    %dma_wait3A_451 = tpu.memref_squeeze %dma_wait3A_450 : memref<1x16x1024xf32, #tpu.memory_space<vmem>> -> memref<16x1024xf32, #tpu.memory_space<vmem>>
    %dma_wait3A_452 = arith.constant 0 : i32
    %dma_wait3A_453 = tpu.memref_slice %arg2[%add3A_287, %dma_wait3A_452] : memref<151936x1024xf32, #tpu.memory_space<hbm>> -> memref<16x1024xf32, #tpu.memory_space<hbm>>
    tpu.wait_dma2 semaphore(%arg17 : memref<!tpu.dma_semaphore, #tpu.memory_space<semaphore_mem>>) src(%dma_wait3A_453 : memref<16x1024xf32, #tpu.memory_space<hbm>>) dst(%dma_wait3A_451 : memref<16x1024xf32, #tpu.memory_space<vmem>>)
    %add3A_454 = arith.constant 240 : i32
    %add3A_455 = arith.addi %add3A, %add3A_454 : i32
    %dma_start3A_456 = arith.constant 3 : i32
    %dma_start3A_457 = arith.constant 0 : i32
    %dma_start3A_458 = arith.constant 0 : i32
    %dma_start3A_459 = tpu.memref_slice %arg7[%dma_start3A_456, %dma_start3A_457, %dma_start3A_458] : memref<6x16x1024xf32, #tpu.memory_space<vmem>> -> memref<1x16x1024xf32, #tpu.memory_space<vmem>>
    %dma_start3A_460 = tpu.memref_squeeze %dma_start3A_459 : memref<1x16x1024xf32, #tpu.memory_space<vmem>> -> memref<16x1024xf32, #tpu.memory_space<vmem>>
    %dma_start3A_461 = arith.constant 0 : i32
    %dma_start3A_462 = tpu.memref_slice %arg2[%add3A_455, %dma_start3A_461] : memref<151936x1024xf32, #tpu.memory_space<hbm>> -> memref<16x1024xf32, #tpu.memory_space<hbm>>
    %dma_start3A_463 = arith.constant 0 : i32
    %dma_start3A_464 = arith.constant 0 : i32
    %dma_start3A_465 = tpu.memref_slice %arg7[%dma_start3A_456, %dma_start3A_463, %dma_start3A_464] : memref<6x16x1024xf32, #tpu.memory_space<vmem>> -> memref<1x16x1024xf32, #tpu.memory_space<vmem>>
    %dma_start3A_466 = tpu.memref_squeeze %dma_start3A_465 : memref<1x16x1024xf32, #tpu.memory_space<vmem>> -> memref<16x1024xf32, #tpu.memory_space<vmem>>
    %dma_start3A_467 = arith.constant 0 : i32
    %dma_start3A_468 = tpu.memref_slice %arg2[%add3A_455, %dma_start3A_467] : memref<151936x1024xf32, #tpu.memory_space<hbm>> -> memref<16x1024xf32, #tpu.memory_space<hbm>>
    tpu.enqueue_dma source(%dma_start3A_468 : memref<16x1024xf32, #tpu.memory_space<hbm>>) target(%dma_start3A_466 : memref<16x1024xf32, #tpu.memory_space<vmem>>) target_semaphore(%arg17 : memref<!tpu.dma_semaphore, #tpu.memory_space<semaphore_mem>>)
    %dma_wait3A_469 = arith.constant 4 : i32
    %dma_wait3A_470 = arith.constant 0 : i32
    %dma_wait3A_471 = arith.constant 0 : i32
    %dma_wait3A_472 = tpu.memref_slice %arg7[%dma_wait3A_469, %dma_wait3A_470, %dma_wait3A_471] : memref<6x16x1024xf32, #tpu.memory_space<vmem>> -> memref<1x16x1024xf32, #tpu.memory_space<vmem>>
    %dma_wait3A_473 = tpu.memref_squeeze %dma_wait3A_472 : memref<1x16x1024xf32, #tpu.memory_space<vmem>> -> memref<16x1024xf32, #tpu.memory_space<vmem>>
    %dma_wait3A_474 = arith.constant 0 : i32
    %dma_wait3A_475 = tpu.memref_slice %arg2[%add3A_315, %dma_wait3A_474] : memref<151936x1024xf32, #tpu.memory_space<hbm>> -> memref<16x1024xf32, #tpu.memory_space<hbm>>
    %dma_wait3A_476 = arith.constant 0 : i32
    %dma_wait3A_477 = arith.constant 0 : i32
    %dma_wait3A_478 = tpu.memref_slice %arg7[%dma_wait3A_469, %dma_wait3A_476, %dma_wait3A_477] : memref<6x16x1024xf32, #tpu.memory_space<vmem>> -> memref<1x16x1024xf32, #tpu.memory_space<vmem>>
    %dma_wait3A_479 = tpu.memref_squeeze %dma_wait3A_478 : memref<1x16x1024xf32, #tpu.memory_space<vmem>> -> memref<16x1024xf32, #tpu.memory_space<vmem>>
    %dma_wait3A_480 = arith.constant 0 : i32
    %dma_wait3A_481 = tpu.memref_slice %arg2[%add3A_315, %dma_wait3A_480] : memref<151936x1024xf32, #tpu.memory_space<hbm>> -> memref<16x1024xf32, #tpu.memory_space<hbm>>
    tpu.wait_dma2 semaphore(%arg18 : memref<!tpu.dma_semaphore, #tpu.memory_space<semaphore_mem>>) src(%dma_wait3A_481 : memref<16x1024xf32, #tpu.memory_space<hbm>>) dst(%dma_wait3A_479 : memref<16x1024xf32, #tpu.memory_space<vmem>>)
    %dma_wait3A_482 = arith.constant 5 : i32
    %dma_wait3A_483 = arith.constant 0 : i32
    %dma_wait3A_484 = arith.constant 0 : i32
    %dma_wait3A_485 = tpu.memref_slice %arg7[%dma_wait3A_482, %dma_wait3A_483, %dma_wait3A_484] : memref<6x16x1024xf32, #tpu.memory_space<vmem>> -> memref<1x16x1024xf32, #tpu.memory_space<vmem>>
    %dma_wait3A_486 = tpu.memref_squeeze %dma_wait3A_485 : memref<1x16x1024xf32, #tpu.memory_space<vmem>> -> memref<16x1024xf32, #tpu.memory_space<vmem>>
    %dma_wait3A_487 = arith.constant 0 : i32
    %dma_wait3A_488 = tpu.memref_slice %arg2[%add3A_343, %dma_wait3A_487] : memref<151936x1024xf32, #tpu.memory_space<hbm>> -> memref<16x1024xf32, #tpu.memory_space<hbm>>
    %dma_wait3A_489 = arith.constant 0 : i32
    %dma_wait3A_490 = arith.constant 0 : i32
    %dma_wait3A_491 = tpu.memref_slice %arg7[%dma_wait3A_482, %dma_wait3A_489, %dma_wait3A_490] : memref<6x16x1024xf32, #tpu.memory_space<vmem>> -> memref<1x16x1024xf32, #tpu.memory_space<vmem>>
    %dma_wait3A_492 = tpu.memref_squeeze %dma_wait3A_491 : memref<1x16x1024xf32, #tpu.memory_space<vmem>> -> memref<16x1024xf32, #tpu.memory_space<vmem>>
    %dma_wait3A_493 = arith.constant 0 : i32
    %dma_wait3A_494 = tpu.memref_slice %arg2[%add3A_343, %dma_wait3A_493] : memref<151936x1024xf32, #tpu.memory_space<hbm>> -> memref<16x1024xf32, #tpu.memory_space<hbm>>
    tpu.wait_dma2 semaphore(%arg19 : memref<!tpu.dma_semaphore, #tpu.memory_space<semaphore_mem>>) src(%dma_wait3A_494 : memref<16x1024xf32, #tpu.memory_space<hbm>>) dst(%dma_wait3A_492 : memref<16x1024xf32, #tpu.memory_space<vmem>>)
    %dma_wait3A_495 = arith.constant 0 : i32
    %dma_wait3A_496 = arith.constant 0 : i32
    %dma_wait3A_497 = arith.constant 0 : i32
    %dma_wait3A_498 = tpu.memref_slice %arg7[%dma_wait3A_495, %dma_wait3A_496, %dma_wait3A_497] : memref<6x16x1024xf32, #tpu.memory_space<vmem>> -> memref<1x16x1024xf32, #tpu.memory_space<vmem>>
    %dma_wait3A_499 = tpu.memref_squeeze %dma_wait3A_498 : memref<1x16x1024xf32, #tpu.memory_space<vmem>> -> memref<16x1024xf32, #tpu.memory_space<vmem>>
    %dma_wait3A_500 = arith.constant 0 : i32
    %dma_wait3A_501 = tpu.memref_slice %arg2[%add3A_371, %dma_wait3A_500] : memref<151936x1024xf32, #tpu.memory_space<hbm>> -> memref<16x1024xf32, #tpu.memory_space<hbm>>
    %dma_wait3A_502 = arith.constant 0 : i32
    %dma_wait3A_503 = arith.constant 0 : i32
    %dma_wait3A_504 = tpu.memref_slice %arg7[%dma_wait3A_495, %dma_wait3A_502, %dma_wait3A_503] : memref<6x16x1024xf32, #tpu.memory_space<vmem>> -> memref<1x16x1024xf32, #tpu.memory_space<vmem>>
    %dma_wait3A_505 = tpu.memref_squeeze %dma_wait3A_504 : memref<1x16x1024xf32, #tpu.memory_space<vmem>> -> memref<16x1024xf32, #tpu.memory_space<vmem>>
    %dma_wait3A_506 = arith.constant 0 : i32
    %dma_wait3A_507 = tpu.memref_slice %arg2[%add3A_371, %dma_wait3A_506] : memref<151936x1024xf32, #tpu.memory_space<hbm>> -> memref<16x1024xf32, #tpu.memory_space<hbm>>
    tpu.wait_dma2 semaphore(%arg14 : memref<!tpu.dma_semaphore, #tpu.memory_space<semaphore_mem>>) src(%dma_wait3A_507 : memref<16x1024xf32, #tpu.memory_space<hbm>>) dst(%dma_wait3A_505 : memref<16x1024xf32, #tpu.memory_space<vmem>>)
    %dma_wait3A_508 = arith.constant 1 : i32
    %dma_wait3A_509 = arith.constant 0 : i32
    %dma_wait3A_510 = arith.constant 0 : i32
    %dma_wait3A_511 = tpu.memref_slice %arg7[%dma_wait3A_508, %dma_wait3A_509, %dma_wait3A_510] : memref<6x16x1024xf32, #tpu.memory_space<vmem>> -> memref<1x16x1024xf32, #tpu.memory_space<vmem>>
    %dma_wait3A_512 = tpu.memref_squeeze %dma_wait3A_511 : memref<1x16x1024xf32, #tpu.memory_space<vmem>> -> memref<16x1024xf32, #tpu.memory_space<vmem>>
    %dma_wait3A_513 = arith.constant 0 : i32
    %dma_wait3A_514 = tpu.memref_slice %arg2[%add3A_399, %dma_wait3A_513] : memref<151936x1024xf32, #tpu.memory_space<hbm>> -> memref<16x1024xf32, #tpu.memory_space<hbm>>
    %dma_wait3A_515 = arith.constant 0 : i32
    %dma_wait3A_516 = arith.constant 0 : i32
    %dma_wait3A_517 = tpu.memref_slice %arg7[%dma_wait3A_508, %dma_wait3A_515, %dma_wait3A_516] : memref<6x16x1024xf32, #tpu.memory_space<vmem>> -> memref<1x16x1024xf32, #tpu.memory_space<vmem>>
    %dma_wait3A_518 = tpu.memref_squeeze %dma_wait3A_517 : memref<1x16x1024xf32, #tpu.memory_space<vmem>> -> memref<16x1024xf32, #tpu.memory_space<vmem>>
    %dma_wait3A_519 = arith.constant 0 : i32
    %dma_wait3A_520 = tpu.memref_slice %arg2[%add3A_399, %dma_wait3A_519] : memref<151936x1024xf32, #tpu.memory_space<hbm>> -> memref<16x1024xf32, #tpu.memory_space<hbm>>
    tpu.wait_dma2 semaphore(%arg15 : memref<!tpu.dma_semaphore, #tpu.memory_space<semaphore_mem>>) src(%dma_wait3A_520 : memref<16x1024xf32, #tpu.memory_space<hbm>>) dst(%dma_wait3A_518 : memref<16x1024xf32, #tpu.memory_space<vmem>>)
    %dma_wait3A_521 = arith.constant 2 : i32
    %dma_wait3A_522 = arith.constant 0 : i32
    %dma_wait3A_523 = arith.constant 0 : i32
    %dma_wait3A_524 = tpu.memref_slice %arg7[%dma_wait3A_521, %dma_wait3A_522, %dma_wait3A_523] : memref<6x16x1024xf32, #tpu.memory_space<vmem>> -> memref<1x16x1024xf32, #tpu.memory_space<vmem>>
    %dma_wait3A_525 = tpu.memref_squeeze %dma_wait3A_524 : memref<1x16x1024xf32, #tpu.memory_space<vmem>> -> memref<16x1024xf32, #tpu.memory_space<vmem>>
    %dma_wait3A_526 = arith.constant 0 : i32
    %dma_wait3A_527 = tpu.memref_slice %arg2[%add3A_427, %dma_wait3A_526] : memref<151936x1024xf32, #tpu.memory_space<hbm>> -> memref<16x1024xf32, #tpu.memory_space<hbm>>
    %dma_wait3A_528 = arith.constant 0 : i32
    %dma_wait3A_529 = arith.constant 0 : i32
    %dma_wait3A_530 = tpu.memref_slice %arg7[%dma_wait3A_521, %dma_wait3A_528, %dma_wait3A_529] : memref<6x16x1024xf32, #tpu.memory_space<vmem>> -> memref<1x16x1024xf32, #tpu.memory_space<vmem>>
    %dma_wait3A_531 = tpu.memref_squeeze %dma_wait3A_530 : memref<1x16x1024xf32, #tpu.memory_space<vmem>> -> memref<16x1024xf32, #tpu.memory_space<vmem>>
    %dma_wait3A_532 = arith.constant 0 : i32
    %dma_wait3A_533 = tpu.memref_slice %arg2[%add3A_427, %dma_wait3A_532] : memref<151936x1024xf32, #tpu.memory_space<hbm>> -> memref<16x1024xf32, #tpu.memory_space<hbm>>
    tpu.wait_dma2 semaphore(%arg16 : memref<!tpu.dma_semaphore, #tpu.memory_space<semaphore_mem>>) src(%dma_wait3A_533 : memref<16x1024xf32, #tpu.memory_space<hbm>>) dst(%dma_wait3A_531 : memref<16x1024xf32, #tpu.memory_space<vmem>>)
    %dma_wait3A_534 = arith.constant 3 : i32
    %dma_wait3A_535 = arith.constant 0 : i32
    %dma_wait3A_536 = arith.constant 0 : i32
    %dma_wait3A_537 = tpu.memref_slice %arg7[%dma_wait3A_534, %dma_wait3A_535, %dma_wait3A_536] : memref<6x16x1024xf32, #tpu.memory_space<vmem>> -> memref<1x16x1024xf32, #tpu.memory_space<vmem>>
    %dma_wait3A_538 = tpu.memref_squeeze %dma_wait3A_537 : memref<1x16x1024xf32, #tpu.memory_space<vmem>> -> memref<16x1024xf32, #tpu.memory_space<vmem>>
    %dma_wait3A_539 = arith.constant 0 : i32
    %dma_wait3A_540 = tpu.memref_slice %arg2[%add3A_455, %dma_wait3A_539] : memref<151936x1024xf32, #tpu.memory_space<hbm>> -> memref<16x1024xf32, #tpu.memory_space<hbm>>
    %dma_wait3A_541 = arith.constant 0 : i32
    %dma_wait3A_542 = arith.constant 0 : i32
    %dma_wait3A_543 = tpu.memref_slice %arg7[%dma_wait3A_534, %dma_wait3A_541, %dma_wait3A_542] : memref<6x16x1024xf32, #tpu.memory_space<vmem>> -> memref<1x16x1024xf32, #tpu.memory_space<vmem>>
    %dma_wait3A_544 = tpu.memref_squeeze %dma_wait3A_543 : memref<1x16x1024xf32, #tpu.memory_space<vmem>> -> memref<16x1024xf32, #tpu.memory_space<vmem>>
    %dma_wait3A_545 = arith.constant 0 : i32
    %dma_wait3A_546 = tpu.memref_slice %arg2[%add3A_455, %dma_wait3A_545] : memref<151936x1024xf32, #tpu.memory_space<hbm>> -> memref<16x1024xf32, #tpu.memory_space<hbm>>
    tpu.wait_dma2 semaphore(%arg17 : memref<!tpu.dma_semaphore, #tpu.memory_space<semaphore_mem>>) src(%dma_wait3A_546 : memref<16x1024xf32, #tpu.memory_space<hbm>>) dst(%dma_wait3A_544 : memref<16x1024xf32, #tpu.memory_space<vmem>>)
    return
  }
}

</mosaic_0001>

<sc_bundles>
// kernel: kernel.3.cloned.1.call-start
scs
__scs_entry_jumppad:
0x0: {  	(pc) =	sbr.rel $0x88, $3  }
0x1: {  	(tag) =	ssettag $0x0;
	lr =	simm.s32 $0x1  }
0x2: {  	[smem:$0x3F9E] =	sst lr;
	_ =	strace $0xD0000000  }
0x3: {  	_ = 	snop  }
0x4: {  	_ = 	snop  }
0x5: {  	_ = 	snop  }
0x6: {  	_ = 	snop  }
0x7: {  	_ = 	snop  }
__scs_overlays_trampoline_lowered:
0x8: {  	[smem:$0x3FAD] =	sst s0  }
0x9: {  	[smem:$0x3FAE] =	sst s1  }
0xa: {  	[smem:$0x3FAF] =	sst s2  }
0xb: {  	[smem:$0x3FB0] =	sst s3  }
0xc: {  	[smem:$0x3FB1] =	sst s4  }
0xd: {  	[smem:$0x3FB2] =	sst s5  }
0xe: {  	[smem:$0x3FB3] =	sst s6  }
0xf: {  	[smem:$0x3FB4] =	sst s7  }
0x10: {  	[smem:$0x3FB5] =	sst s8  }
0x11: {  	[smem:$0x3FB6] =	sst s9;
	s0 =	simm.s32 @!p0 $0x0  }
0x12: {  	s1 =	sld [smem:$0x3F9C];
	s0 =	simm.s32 @p0 $0x1  }
0x13: {  	[smem:$0x3FB7] =	sst s0;
	s0 =	simm.s32 @!p1 $0x0  }
0x14: {  	s2 =	sld [smem:$0x3F9B];
	s0 =	simm.s32 @p1 $0x1  }
0x15: {  	[smem:$0x3FB8] =	sst s0;
	s0 =	simm.s32 @!p2 $0x0  }
0x16: {  	s3 =	sld [smem:$0x3FDB];
	s0 =	simm.s32 @p2 $0x1  }
0x17: {  	s4 =	simm.s32 $0x1BF5;
	[smem:$0x3FBA] =	sst s0  }
0x18: {  	s0 =	sld [smem:$0x3F9D];
	_ =	swait.ge [sflag:s4], $0x0  }
0x19: {  	s7 =	sld [smem:$0x3F9E]  }
0x1a: {  	s8 =	sadd.s32 $0xFFFFE003, lr  }
0x1b: {  	s9 =	sadd.s32 $0xFFFFFEF7, lr;
	s5 =	simm.s32 $0xFFFFFFFF;
	p2 =	slt.u32 s8, $0xFFFFF086  }
0x1c: {  	p1 =	slt.u32 s9, $0xF7A;
	s5 =	simm.s32 @!p2 $0x0  }
0x1d: {  	s5 =	simm.s32 @p1 $0x1;
	p0 =	seq.s32 s7, s2  }
0x1e: {  	s7 =	smul.u32 @!p0 $0xF7A, s2;
	p2 =	seq.s32 @!p0 s5, $0x0  }
0x1f: {  	s9 =	smul.u32 $0xF7A, s1;
	s8 =	simm.s32 @!p0 $0x1BF5;
	p2 =	por !p2, p0  }
0x20: {  	[sflag:s8] =	ssyncset.s32 @!p0 $0xFFFFF086;
	s6 =	sadd.s32 @!p0 s3, s7;
	s7 =	simm.s32 @!p0 $0x108  }
0x21: {  	s3 =	sadd.s32 s3, s9;
	s6 =	sadd.s32 @!p0 $0x88, s6;
	s7 =	simm.s32 @p2 $0x1082  }
0x22: {  	[simem:s7], [sflag:s8] =	dma.local @!p0 [hbm:s6], $0xF7A  }
0x23: {  	s9 =	sor.u32 $0xD0000000, s2;
	s6 =	simm.s32 $0x108;
	_ =	swait.ge @!p0 [sflag:s8], $0x0  }
0x24: {  	s3 =	sadd.s32 $0x88, s3;
	s6 =	simm.s32 @!p1 $0x1082;
	[sflag:s4] =	ssyncset.s32 $0xFFFFF086  }
0x25: {  	[simem:s6], [sflag:s4] =	dma.local [hbm:s3], $0xF7A  }
0x26: {  	[smem:$0x3F9E] =	sst s1;
	(tag) =	ssettag s2;
	_ =	strace s9  }
0x27: {  	s1 =	sld [smem:$0x3FAE]  }
0x28: {  	s2 =	sld [smem:$0x3FAF]  }
0x29: {  	s4 =	sld [smem:$0x3FB1]  }
0x2a: {  	p0 =	seq.s32 s5, $0x0;
	s5 =	sld [smem:$0x3FB2]  }
0x2b: {  	s6 =	sld [smem:$0x3FB3]  }
0x2c: {  	s7 =	sld [smem:$0x3FB4]  }
0x2d: {  	s3 =	simm.s32 $0x108;
	s8 =	sld [smem:$0x3FB5]  }
0x2e: {  	s3 =	simm.s32 @!p0 $0x1082;
	s9 =	sld [smem:$0x3FB6]  }
0x2f: {  	lr =	sadd.s32 s0, s3;
	s0 =	sld [smem:$0x3FAD]  }
0x30: {  	s3 =	sld [smem:$0x3FB0]  }
0x31: {  	[smem:$0x3FB9] =	sst s10  }
0x32: {  	s10 =	sld [smem:$0x3FB7];
	_ =	sdelay $0x3  }
0x33: {  	p0 =	seq.s32 s10, $0x1;
	s10 =	sld [smem:$0x3FB9];
	_ =	sdelay $0x3  }
0x34: {  	[smem:$0x3FB9] =	sst s10  }
0x35: {  	s10 =	sld [smem:$0x3FB8];
	_ =	sdelay $0x3  }
0x36: {  	p1 =	seq.s32 s10, $0x1;
	s10 =	sld [smem:$0x3FB9];
	_ =	sdelay $0x3  }
0x37: {  	[smem:$0x3FB9] =	sst s10  }
0x38: {  	s10 =	sld [smem:$0x3FBA]  }
0x39: {  	_ = 	snop;
	(pc) =	sbr.ind lr, $3  }
0x3a: {  	_ = 	snop  }
0x3b: {  	_ = 	snop  }
0x3c: {  	p2 =	seq.s32 s10, $0x1;
	s10 =	sld [smem:$0x3FB9]  }
0x3d: {  	_ =	shalt  }
0x3e: {  	_ =	shalt  }
0x3f: {  	_ =	shalt  }
0x40: {  	_ =	shalt  }
0x41: {  	_ =	shalt  }
0x42: {  	_ =	shalt  }
0x43: {  	_ =	shalt  }
0x44: {  	_ =	shalt  }
0x45: {  	_ =	shalt  }
0x46: {  	_ =	shalt  }
0x47: {  	_ =	shalt  }
0x48: {  	_ =	shalt  }
0x49: {  	_ =	shalt  }
0x4a: {  	_ =	shalt  }
0x4b: {  	_ =	shalt  }
0x4c: {  	_ =	shalt  }
0x4d: {  	_ =	shalt  }
0x4e: {  	_ =	shalt  }
0x4f: {  	_ =	shalt  }
0x50: {  	_ =	shalt  }
0x51: {  	_ =	shalt  }
0x52: {  	_ =	shalt  }
0x53: {  	_ =	shalt  }
0x54: {  	_ =	shalt  }
0x55: {  	_ =	shalt  }
0x56: {  	_ =	shalt  }
0x57: {  	_ =	shalt  }
0x58: {  	_ =	shalt  }
0x59: {  	_ =	shalt  }
0x5a: {  	_ =	shalt  }
0x5b: {  	_ =	shalt  }
0x5c: {  	_ =	shalt  }
0x5d: {  	_ =	shalt  }
0x5e: {  	_ =	shalt  }
0x5f: {  	_ =	shalt  }
0x60: {  	_ =	shalt  }
0x61: {  	_ =	shalt  }
0x62: {  	_ =	shalt  }
0x63: {  	_ =	shalt  }
0x64: {  	_ =	shalt  }
0x65: {  	_ =	shalt  }
0x66: {  	_ =	shalt  }
0x67: {  	_ =	shalt  }
0x68: {  	_ =	shalt  }
0x69: {  	_ =	shalt  }
0x6a: {  	_ =	shalt  }
0x6b: {  	_ =	shalt  }
0x6c: {  	_ =	shalt  }
0x6d: {  	_ =	shalt  }
0x6e: {  	_ =	shalt  }
0x6f: {  	_ =	shalt  }
0x70: {  	_ =	shalt  }
0x71: {  	_ =	shalt  }
0x72: {  	_ =	shalt  }
0x73: {  	_ =	shalt  }
0x74: {  	_ =	shalt  }
0x75: {  	_ =	shalt  }
0x76: {  	_ =	shalt  }
0x77: {  	_ =	shalt  }
0x78: {  	_ =	shalt  }
0x79: {  	_ =	shalt  }
0x7a: {  	_ =	shalt  }
0x7b: {  	_ =	shalt  }
0x7c: {  	_ =	shalt  }
0x7d: {  	_ =	shalt  }
0x7e: {  	_ =	shalt  }
0x7f: {  	_ =	shalt  }
0x80: {  	_ =	shalt  }
0x81: {  	_ =	shalt  }
0x82: {  	_ =	shalt  }
0x83: {  	_ =	shalt  }
0x84: {  	_ =	shalt  }
0x85: {  	_ =	shalt  }
0x86: {  	_ =	shalt  }
0x87: {  	_ =	shalt  }
.Lfunc_end0:
.L_simem_size_0:
called_computation_lowered:
.L_overlay_start_0:
0x88: {  	s2 =	sld [smem:$0x3FD9]  }
0x89: {  	s3 =	sld [smem:$0x3FFE];
	_ =	sdelay $0x1  }
0x8a: {  	s1 =	srdreg.scid  }
0x8b: {  	s0 =	sand.u32 $0x1, s1  }
0x8c: {  	s17 =	sshll.u32 s0, $0xA;
	s2 =	sadd.s32 s3, s2  }
0x8d: {  	s2 =	sadd.s32 s2, s17  }
0x8e: {  	[smem:$0x3FC5] =	sst s2  }
0x8f: {  	_ = 	snop  }
0x90: {  	s2 =	sld [smem:$0x3FC7];
	(tm) =	ssettm $0x1  }
0x91: {  	s18 =	sld [smem:$0x3FFB];
	_ =	sdelay $0x3  }
0x92: {  	_ =	strace s18  }
0x93: {  	s3 =	sld [smem:$0x3FFC];
	_ =	sdelay $0x3  }
0x94: {  	_ =	strace s3  }
0x95: {  	s3 =	sld [smem:$0x3FFD];
	_ =	sdelay $0x3  }
0x96: {  	_ =	strace s3  }
0x97: {  	_ =	strace $0x8FFFFFFF  }
0x98: {  	s19 =	sld [smem:$0x3FDB];
	_ =	sdelay $0x1  }
0x99: {  	s4 =	simm.s32 $_scs_section_size  }
0x9a: {  	s5 =	simm.s32 $_size__tile_overlayer_lowered;
	s6 =	simm.s32 $_tile_overlayer_lowered  }
0x9b: {  	s22 =	simm.s32 $0x1BFF;
	s21 =	sshll.u32 s6, $0x1;
	s3 =	sadd.s32 s4, s19  }
0x9c: {  	s7 =	simm.s32 $0x0;
	s20 =	sshll.u32 s5, $0x1;
	s5 =	sadd.s32 s21, s3  }
0x9d: {  	[timem:s7], [sflag:s22] =	dma.local [hbm:s5], s20  }
0x9e: {  	_ =	swait.ge [sflag:s22], s20  }
0x9f: {  	s4 =	ssub.s32 $0x0, s20;
	[sflag:s22] =	ssyncset.done $0x0  }
0xa0: {  	[sflag:s22] =	ssyncadd.s32 s4;
	_ =	sdelay $0x1  }
0xa1: {  	s23 =	simm.s32 $0x1B8B  }
0xa2: {  	_ =	swait.ge [sflag:s23], $0x1  }
0xa3: {  	[sflag:s23] =	ssyncset.done $0x0  }
0xa4: {  	s25 =	simm.s32 $0x1B8E;
	s24 =	sld [smem:$0x3FFE];
	[sflag:s23] =	ssyncadd.s32 $0xFFFFFFFF  }
0xa5: {  	s26 =	simm.s32 $execute0_lowered;
	[smem:$0x3FD2] =	sst s25  }
0xa6: {  	s5 =	sshll.u32 s26, $0x1;
	_ =	strace $0x80000046;
	[dreg:$0x1] =	wrdreg $0xFFFFFFFF  }
0xa7: {  	s28 =	simm.s32 $_size_execute0_lowered;
	s3 =	sadd.s32 s3, s5;
	[dreg:$0x0] =	wrdreg $0x0  }
0xa8: {  	s5 =	sshll.u32 s28, $0x1;
	[dreg:$0x2] =	wrdreg s3  }
0xa9: {  	[dreg:$0x3] =	wrdreg s5  }
0xaa: {  	[dreg:$0x4] =	wrdreg $0xC0  }
0xab: {  	_ =	task [dreg:s7], $0x5FFFF  }
0xac: {  	[dreg:$0x1] =	wrdreg $0xFFFFFFFF  }
0xad: {  	[dreg:$0x0] =	wrdreg $0x60  }
0xae: {  	[dreg:$0x2] =	wrdreg s2  }
0xaf: {  	[dreg:$0x3] =	wrdreg s24  }
0xb0: {  	[dreg:$0x4] =	wrdreg $0x189800  }
0xb1: {  	[dreg:$0x5] =	wrdreg $0x9  }
0xb2: {  	_ =	task.clear_ibuf [dreg:s7], $0x6FFFF;
	_ =	strace $0x90000046  }
0xb3: {  	s29 =	simm.s32 $0x9;
	_ =	strace $0x80000048  }
0xb4: {  	_ =	swait.ge [sflag:s29], $0x1  }
0xb5: {  	[sflag:s29] =	ssyncadd.s32 $0xFFFFFFFF  }
0xb6: {  	_ =	strace $0x90000048  }
0xb7: {  	_ =	sfence  }
0xb8: {  	s30 =	sld [smem:$0x0];
	_ =	sdelay $0x2  }
0xb9: {  	s31 =	sshll.u32 s1, $0xD;
	s1 =	sshrl.u32 s1, $0x2  }
0xba: {  	s3 =	sand.u32 $0x4000, s31;
	s1 =	sadd.s32 s1, s30  }
0xbb: {  	s0 =	sor.u32 s3, s0;
	s1 =	sshll.u32 s1, $0x11  }
0xbc: {  	s0 =	sor.u32 s1, s0  }
0xbd: {  	s0 =	sadd.s32 $0x8F2B, s0  }
0xbe: {  	[sflag:s0] =	ssyncadd.remote.s32 $0x1  }
0xbf: {  	_ =	sfence.sel $0xFFFF  }
0xc0: {  	[dreg:$0x0] =	wrdreg $0xFFFFFFFF;
	(pc) =	sbr.abs _section_cstart, $3  }
0xc1: {  	[dreg:$0x1] =	wrdreg $0xFFFFFFFF  }
0xc2: {  	_ =	task.clear_ibuf [dreg:s7], $0x2FFFF;
	_ =	strace $0x9FFFFFFF  }
0xc3: {  	(tm) =	ssettm $0x7FFFFFFF  }
tec
execute0_lowered:
.L_overlay_start_1:
0x0: {  	(tag) =	ssettag $0x1  }
0x1: {  	s4 =	rddreg [dreg:$0x0]  }
0x2: {  	s1 =	srdreg.scid;
	s5 =	rddreg [dreg:$0x1]  }
0x3: {  	s0 =	stileid.u32;
	s2 =	rddreg [dreg:$0x2];
	s1 =	sand.u32 $0x1, s1  }
0x4: {  	s3 =	simm.s32 $0x0;
	s7 =	sshll.u32 s0, $0x8;
	s6 =	sshll.u32 s1, $0xC  }
0x5: {  	[smem:$0x7FF] =	sst s3;
	s6 =	sor.u32 s7, s6  }
0x6: {  	s18 =	sshll.u32 s0, $0x7;
	_ =	strace $0x80000047;
	s7 =	sshrl.u32 s6, $0x3  }
0x7: {  	s19 =	sadd.s32 s18, s2;
	s6 =	sshll.u32 s6, $0x7;
	s5 =	sadd.s32 s7, s5  }
0x8: {  	[dreg:$0x5] =	wrdreg s19;
	s4 =	sadd.s32 s4, s6;
	s5 =	sadd.s32 $0x400, s5  }
0x9: {  	s20 =	sadd.s32 $0x800, s4;
	[dreg:$0x4] =	wrdreg s5  }
0xa: {  	s21 =	sadd.s32 $0x1000, s4;
	[dreg:$0x6] =	wrdreg s20  }
0xb: {  	s22 =	sadd.s32 $0x1800, s4;
	[dreg:$0x7] =	wrdreg s21  }
0xc: {  	s24 =	sadd.s32 $0x2000, s4;
	[dreg:$0x8] =	wrdreg s22  }
0xd: {  	[dreg:$0x9] =	wrdreg s24  }
0xe: {  	s5 =	simm.s32 $0x7;
	s23 =	rddreg [dreg:$0x4]  }
0xf: {  	[tilespmem:s3], [sflag:$0x7] =	stream.linear.gather [hbm4b:s23+s3], $0x100, $0x38;
	[tilespmem:$0x18990] =	vst v63  }
0x10: {  	_ =	swait.ge [sflag:s5], $0x100  }
0x11: {  	[sflag:s5] =	ssyncset.done $0x0  }
0x12: {  	[sflag:s5] =	ssyncadd.s32 $0xFFFFFF00  }
0x13: {  	v1 =	vld [tilespmem:$0x0]  }
0x14: {  	v2 =	vld [tilespmem:$0x10]  }
0x15: {  	v3 =	vld [tilespmem:$0x20]  }
0x16: {  	v4 =	vld [tilespmem:$0x30]  }
0x17: {  	v5 =	vld [tilespmem:$0x40]  }
0x18: {  	v6 =	vld [tilespmem:$0x50]  }
0x19: {  	v0 =	vimm.s32 $0x0;
	vm0 =	veq.s32 v1, $0x25067;
	v1 =	vld [tilespmem:$0x60];
	vm1 =	veq.s32 v2, $0x25067  }
0x1a: {  	vm14 =	veq.s32 v3, $0x25067;
	v3 =	vld [tilespmem:$0x70];
	v2 =	vsel vm0, $0x1, v0;
	v7 =	vsel vm1, $0x1, v0  }
0x1b: {  	v50 =	vld [tilespmem:$0x80];
	vm15 =	veq.s32 v4, $0x25067;
	v8 =	vsel vm14, $0x1, v0;
	v2 =	vadd.s32 v2, v7  }
0x1c: {  	v52 =	vld [tilespmem:$0x90];
	vm4 =	veq.s32 v5, $0x25067;
	v51 =	vsel vm15, $0x1, v0;
	v2 =	vadd.s32 v8, v2  }
0x1d: {  	v54 =	vld [tilespmem:$0xA0];
	vm5 =	veq.s32 v6, $0x25067;
	v53 =	vsel vm4, $0x1, v0;
	v2 =	vadd.s32 v51, v2  }
0x1e: {  	v55 =	vsel vm5, $0x1, v0;
	vm6 =	veq.s32 v1, $0x25067;
	v1 =	vld [tilespmem:$0xB0];
	v2 =	vadd.s32 v53, v2  }
0x1f: {  	vm7 =	veq.s32 v3, $0x25067;
	v3 =	vld [tilespmem:$0xC0];
	v56 =	vsel vm6, $0x1, v0;
	v2 =	vadd.s32 v55, v2  }
0x20: {  	v58 =	vld [tilespmem:$0xD0];
	vm8 =	veq.s32 v50, $0x25067;
	v57 =	vsel vm7, $0x1, v0;
	v2 =	vadd.s32 v56, v2  }
0x21: {  	v60 =	vld [tilespmem:$0xE0];
	vm9 =	veq.s32 v52, $0x25067;
	v59 =	vsel vm8, $0x1, v0;
	v2 =	vadd.s32 v57, v2  }
0x22: {  	v62 =	vld [tilespmem:$0xF0];
	vm10 =	veq.s32 v54, $0x25067;
	v61 =	vsel vm9, $0x1, v0;
	v2 =	vadd.s32 v59, v2  }
0x23: {  	v63 =	vsel vm10, $0x1, v0;
	vm11 =	veq.s32 v1, $0x25067;
	v1 =	vadd.s32 v61, v2  }
0x24: {  	vm12 =	veq.s32 v3, $0x25067;
	v2 =	vsel vm11, $0x1, v0;
	v1 =	vadd.s32 v63, v1  }
0x25: {  	vm13 =	veq.s32 v58, $0x25067;
	v3 =	vsel vm12, $0x1, v0;
	v1 =	vadd.s32 v2, v1  }
0x26: {  	vm14 =	veq.s32 v60, $0x25067;
	v2 =	vsel vm13, $0x1, v0;
	v1 =	vadd.s32 v3, v1  }
0x27: {  	vm15 =	veq.s32 v62, $0x25067;
	v3 =	vsel vm14, $0x1, v0;
	v1 =	vadd.s32 v2, v1  }
0x28: {  	v2 =	vsel vm15, $0x1, v0;
	v1 =	vadd.s32 v3, v1  }
0x29: {  	v1 =	vadd.s32 v2, v1  }
0x2a: {  	(xrf0) =	vadd.scan.msk.s32 $0xffff, v1;
	_ =	sdelay $0x5  }
0x2b: {  	v1, _, _ =	vpop (xrf0)  }
0x2c: {  	v1 =	vbroadcast v1, $0xF;
	_ =	sdelay $0x1  }
0x2d: {  	s26 =	simm.s32 $0x18100;
	s25 =	rddreg [dreg:$0x5];
	[tilespmem:$0x18100] =	vst v1  }
0x2e: {  	[spmem:s25] =	stream.linear.scatter [tilespmem:s26], [sflag:$0x7], $0x80, $0x38;
	[tilespmem:$0x18990] =	vst v63  }
0x2f: {  	_ =	swait.ge [sflag:s5], $0x80  }
0x30: {  	[sflag:s5] =	ssyncset.done $0x0  }
0x31: {  	[sflag:s5] =	ssyncadd.s32 $0xFFFFFF80  }
0x32: {  	s6 =	simm.s32 $0x18180;
	[bflag:$0x0] =	sbarrier.arrive $0xFFFF  }
0x33: {  	[tilespmem:s6], [sflag:$0x7] =	stream.linear.gather [spmem:s2], $0x800, $0x38;
	[tilespmem:$0x18990] =	vst v63  }
0x34: {  	_ =	swait.ge [sflag:s5], $0x800  }
0x35: {  	[sflag:s5] =	ssyncset.done $0x0  }
0x36: {  	s8 =	simm.s32 $0x100;
	[sflag:s5] =	ssyncadd.s32 $0xFFFFF800  }
0x37: {  	[tilespmem:s8], [sflag:$0x1] =	stream.linear.gather [hbm4b:s4+s3], $0x4000, $0x38;
	[tilespmem:$0x18990] =	vst v63  }
0x38: {  	s9 =	simm.s32 $0x4100;
	s10 =	rddreg [dreg:$0x6]  }
0x39: {  	[tilespmem:s9], [sflag:$0x2] =	stream.linear.gather [hbm4b:s10+s3], $0x4000, $0x38;
	[tilespmem:$0x18990] =	vst v63  }
0x3a: {  	s11 =	rddreg [dreg:$0x7];
	s10 =	simm.s32 $0x8100  }
0x3b: {  	[tilespmem:s10], [sflag:$0x3] =	stream.linear.gather [hbm4b:s11+s3], $0x4000, $0x38;
	[tilespmem:$0x18990] =	vst v63  }
0x3c: {  	s12 =	rddreg [dreg:$0x8];
	s11 =	simm.s32 $0xC100  }
0x3d: {  	[tilespmem:s11], [sflag:$0x4] =	stream.linear.gather [hbm4b:s12+s3], $0x4000, $0x38;
	[tilespmem:$0x18990] =	vst v63  }
0x3e: {  	s13 =	rddreg [dreg:$0x9];
	s12 =	simm.s32 $0x10100  }
0x3f: {  	[tilespmem:s12], [sflag:$0x5] =	stream.linear.gather [hbm4b:s13+s3], $0x4000, $0x38;
	[tilespmem:$0x18990] =	vst v63  }
0x40: {  	s14 =	simm.s32 $0x14100;
	s15 =	simm.s32 $0x1;
	s13 =	sadd.s32 $0x2800, s4  }
0x41: {  	[tilespmem:s14], [sflag:$0x6] =	stream.linear.gather [hbm4b:s13+s3], $0x4000, $0x38;
	[tilespmem:$0x18990] =	vst v63  }
0x42: {  	_ =	swait.ge [sflag:s15], $0x4000  }
0x43: {  	[sflag:s15] =	ssyncset.done $0x0  }
0x44: {  	s17 =	simm.s32 $0x2;
	s16 =	sadd.s32 $0x3000, s4;
	[sflag:s15] =	ssyncadd.s32 $0xFFFFC000  }
0x45: {  	[tilespmem:s8], [sflag:$0x1] =	stream.linear.gather [hbm4b:s16+s3], $0x4000, $0x38;
	[tilespmem:$0x18990] =	vst v63  }
0x46: {  	_ =	swait.ge [sflag:s17], $0x4000  }
0x47: {  	[sflag:s17] =	ssyncset.done $0x0  }
0x48: {  	s19 =	simm.s32 $0x3;
	s18 =	sadd.s32 $0x3800, s4;
	[sflag:s17] =	ssyncadd.s32 $0xFFFFC000  }
0x49: {  	[tilespmem:s9], [sflag:$0x2] =	stream.linear.gather [hbm4b:s18+s3], $0x4000, $0x38;
	[tilespmem:$0x18990] =	vst v63  }
0x4a: {  	_ =	swait.ge [sflag:s19], $0x4000  }
0x4b: {  	[sflag:s19] =	ssyncset.done $0x0  }
0x4c: {  	s21 =	sadd.s32 $0x4000, s4;
	s20 =	simm.s32 $0x4;
	[sflag:s19] =	ssyncadd.s32 $0xFFFFC000  }
0x4d: {  	[tilespmem:s10], [sflag:$0x3] =	stream.linear.gather [hbm4b:s21+s3], $0x4000, $0x38;
	[tilespmem:$0x18990] =	vst v63  }
0x4e: {  	_ =	swait.ge [sflag:s20], $0x4000  }
0x4f: {  	[sflag:s20] =	ssyncset.done $0x0  }
0x50: {  	s22 =	sadd.s32 $0x4800, s4;
	s23 =	simm.s32 $0x5;
	[sflag:s20] =	ssyncadd.s32 $0xFFFFC000  }
0x51: {  	[tilespmem:s11], [sflag:$0x4] =	stream.linear.gather [hbm4b:s22+s3], $0x4000, $0x38;
	[tilespmem:$0x18990] =	vst v63  }
0x52: {  	_ =	swait.ge [sflag:s23], $0x4000  }
0x53: {  	[sflag:s23] =	ssyncset.done $0x0  }
0x54: {  	s24 =	sadd.s32 $0x5000, s4;
	s25 =	simm.s32 $0x6;
	[sflag:s23] =	ssyncadd.s32 $0xFFFFC000  }
0x55: {  	[tilespmem:s12], [sflag:$0x5] =	stream.linear.gather [hbm4b:s24+s3], $0x4000, $0x38;
	[tilespmem:$0x18990] =	vst v63  }
0x56: {  	_ =	swait.ge [sflag:s25], $0x4000  }
0x57: {  	[sflag:s25] =	ssyncset.done $0x0  }
0x58: {  	s26 =	sadd.s32 $0x5800, s4;
	[sflag:s25] =	ssyncadd.s32 $0xFFFFC000  }
0x59: {  	[tilespmem:s14], [sflag:$0x6] =	stream.linear.gather [hbm4b:s26+s3], $0x4000, $0x38;
	[tilespmem:$0x18990] =	vst v63  }
0x5a: {  	_ =	swait.ge [sflag:s15], $0x4000  }
0x5b: {  	[sflag:s15] =	ssyncset.done $0x0  }
0x5c: {  	s28 =	sadd.s32 $0x6000, s4;
	[sflag:s15] =	ssyncadd.s32 $0xFFFFC000  }
0x5d: {  	[tilespmem:s8], [sflag:$0x1] =	stream.linear.gather [hbm4b:s28+s3], $0x4000, $0x38;
	[tilespmem:$0x18990] =	vst v63  }
0x5e: {  	_ =	swait.ge [sflag:s17], $0x4000  }
0x5f: {  	[sflag:s17] =	ssyncset.done $0x0  }
0x60: {  	s29 =	sadd.s32 $0x6800, s4;
	[sflag:s17] =	ssyncadd.s32 $0xFFFFC000  }
0x61: {  	[tilespmem:s9], [sflag:$0x2] =	stream.linear.gather [hbm4b:s29+s3], $0x4000, $0x38;
	[tilespmem:$0x18990] =	vst v63  }
0x62: {  	_ =	swait.ge [sflag:s19], $0x4000  }
0x63: {  	[sflag:s19] =	ssyncset.done $0x0  }
0x64: {  	s30 =	sadd.s32 $0x7000, s4;
	[sflag:s19] =	ssyncadd.s32 $0xFFFFC000  }
0x65: {  	[tilespmem:s10], [sflag:$0x3] =	stream.linear.gather [hbm4b:s30+s3], $0x4000, $0x38;
	[tilespmem:$0x18990] =	vst v63  }
0x66: {  	_ =	swait.ge [sflag:s20], $0x4000  }
0x67: {  	[sflag:s20] =	ssyncset.done $0x0  }
0x68: {  	s31 =	sadd.s32 $0x7800, s4;
	[sflag:s20] =	ssyncadd.s32 $0xFFFFC000  }
0x69: {  	[tilespmem:s11], [sflag:$0x4] =	stream.linear.gather [hbm4b:s31+s3], $0x4000, $0x38;
	[tilespmem:$0x18990] =	vst v63  }
0x6a: {  	_ =	swait.ge [sflag:s23], $0x4000  }
0x6b: {  	[sflag:s23] =	ssyncset.done $0x0  }
0x6c: {  	[sflag:s23] =	ssyncadd.s32 $0xFFFFC000  }
0x6d: {  	_ =	swait.ge [sflag:s25], $0x4000  }
0x6e: {  	[sflag:s25] =	ssyncset.done $0x0  }
0x6f: {  	s1 =	ssub.s32 $0x2, s1;
	[sflag:s25] =	ssyncadd.s32 $0xFFFFC000  }
0x70: {  	s7 =	sshrl.u32 s1, $0x1;
	_ =	swait.ge [sflag:s15], $0x4000  }
0x71: {  	s0 =	ssub.s32 s1, s7;
	[sflag:s15] =	ssyncset.done $0x0  }
0x72: {  	s0 =	smax.u32 s0, $0x1;
	[sflag:s15] =	ssyncadd.s32 $0xFFFFC000  }
0x73: {  	p0 =	sne.s32 s0, $0x1;
	_ =	swait.ge [sflag:s17], $0x4000  }
.Ltmp0:
0x74: {  	[sflag:s17] =	ssyncset.done $0x0;
	(pc) =	sbr.rel @!p0 .LBB2_3-.Ltmp0, $4  }
0x75: {  	[sflag:s17] =	ssyncadd.s32 $0xFFFFC000  }
0x76: {  	_ =	swait.ge [sflag:s19], $0x4000  }
0x77: {  	[sflag:s19] =	ssyncset.done $0x0  }
0x78: {  	s1 =	sadd.s32 $0xFFFFFFFF, s0;
	[sflag:s19] =	ssyncadd.s32 $0xFFFFC000  }
0x79: {  	s7 =	smov.u32 s2  }
.LBB2_2:
0x7a: {  	_ =	swait.ge [sflag:s20], $0x4000  }
0x7b: {  	[sflag:s20] =	ssyncset.done $0x0  }
0x7c: {  	s0 =	rddreg [dreg:$0x4];
	[sflag:s20] =	ssyncadd.s32 $0xFFFFC000  }
0x7d: {  	[tilespmem:s3], [sflag:$0x7] =	stream.linear.gather [hbm4b:s0+s3], $0x100, $0x38;
	[tilespmem:$0x18990] =	vst v63  }
0x7e: {  	_ =	swait.ge [sflag:s5], $0x100  }
0x7f: {  	[sflag:s5] =	ssyncset.done $0x0  }
0x80: {  	[sflag:s5] =	ssyncadd.s32 $0xFFFFFF00  }
0x81: {  	v1 =	vld [tilespmem:$0x20]  }
0x82: {  	v2 =	vld [tilespmem:$0x0]  }
0x83: {  	v3 =	vld [tilespmem:$0x10];
	_ =	sdelay $0x1  }
0x84: {  	v4 =	vld [tilespmem:$0x30]  }
0x85: {  	v5 =	vld [tilespmem:$0x40]  }
0x86: {  	vm0 =	veq.s32 v1, $0x25067;
	v1 =	vld [tilespmem:$0x50]  }
0x87: {  	vm1 =	veq.s32 v2, $0x25067;
	v2 =	vld [tilespmem:$0x60];
	vm14 =	veq.s32 v3, $0x25067  }
0x88: {  	v3 =	vld [tilespmem:$0x70];
	v6 =	vsel vm1, $0x1, v0;
	v7 =	vsel vm14, $0x1, v0  }
0x89: {  	v51 =	vld [tilespmem:$0x80];
	vm15 =	veq.s32 v4, $0x25067;
	v8 =	vsel vm0, $0x1, v0;
	v6 =	vadd.s32 v6, v7  }
0x8a: {  	v53 =	vld [tilespmem:$0x90];
	vm4 =	veq.s32 v5, $0x25067;
	v52 =	vsel vm15, $0x1, v0;
	v6 =	vadd.s32 v8, v6  }
0x8b: {  	v54 =	vsel vm4, $0x1, v0;
	v6 =	vadd.s32 v52, v6;
	vm5 =	veq.s32 v1, $0x25067;
	v1 =	vld [tilespmem:$0xA0]  }
0x8c: {  	vm6 =	veq.s32 v2, $0x25067;
	v2 =	vld [tilespmem:$0xB0];
	v6 =	vadd.s32 v54, v6;
	v55 =	vsel vm5, $0x1, v0  }
0x8d: {  	vm7 =	veq.s32 v3, $0x25067;
	v3 =	vld [tilespmem:$0xC0];
	v56 =	vsel vm6, $0x1, v0;
	v6 =	vadd.s32 v55, v6  }
0x8e: {  	v58 =	vld [tilespmem:$0xD0];
	vm8 =	veq.s32 v51, $0x25067;
	v57 =	vsel vm7, $0x1, v0;
	v6 =	vadd.s32 v56, v6  }
0x8f: {  	v60 =	vld [tilespmem:$0xE0];
	vm9 =	veq.s32 v53, $0x25067;
	v59 =	vsel vm8, $0x1, v0;
	v6 =	vadd.s32 v57, v6  }
0x90: {  	v61 =	vsel vm9, $0x1, v0;
	vm10 =	veq.s32 v1, $0x25067;
	v1 =	vld [tilespmem:$0xF0];
	v6 =	vadd.s32 v59, v6  }
0x91: {  	vm11 =	veq.s32 v2, $0x25067;
	v62 =	vsel vm10, $0x1, v0;
	v2 =	vadd.s32 v61, v6  }
0x92: {  	vm12 =	veq.s32 v3, $0x25067;
	v63 =	vsel vm11, $0x1, v0;
	v2 =	vadd.s32 v62, v2  }
0x93: {  	vm13 =	veq.s32 v58, $0x25067;
	v3 =	vsel vm12, $0x1, v0;
	v2 =	vadd.s32 v63, v2  }
0x94: {  	v4 =	vsel vm13, $0x1, v0;
	vm14 =	veq.s32 v60, $0x25067;
	v2 =	vadd.s32 v3, v2  }
0x95: {  	v3 =	vsel vm14, $0x1, v0;
	vm15 =	veq.s32 v1, $0x25067;
	v1 =	vadd.s32 v4, v2  }
0x96: {  	v2 =	vsel vm15, $0x1, v0;
	v1 =	vadd.s32 v3, v1  }
0x97: {  	v1 =	vadd.s32 v2, v1  }
0x98: {  	(xrf0) =	vadd.scan.msk.s32 $0xffff, v1;
	_ =	sdelay $0x5  }
0x99: {  	v1, _, _ =	vpop (xrf0)  }
0x9a: {  	v1 =	vbroadcast v1, $0xF;
	_ =	sdelay $0x1  }
0x9b: {  	s2 =	simm.s32 $0x18100;
	s6 =	rddreg [dreg:$0x5];
	[tilespmem:$0x18100] =	vst v1  }
0x9c: {  	[spmem:s6] =	stream.linear.scatter [tilespmem:s2], [sflag:$0x7], $0x80, $0x38;
	[tilespmem:$0x18990] =	vst v63  }
0x9d: {  	_ =	swait.ge [sflag:s5], $0x80  }
0x9e: {  	[sflag:s5] =	ssyncset.done $0x0  }
0x9f: {  	[sflag:s5] =	ssyncadd.s32 $0xFFFFFF80  }
0xa0: {  	s6 =	simm.s32 $0x18180;
	[bflag:$0x0] =	sbarrier.arrive $0xFFFF  }
0xa1: {  	[tilespmem:s6], [sflag:$0x7] =	stream.linear.gather [spmem:s7], $0x800, $0x38;
	[tilespmem:$0x18990] =	vst v63  }
0xa2: {  	_ =	swait.ge [sflag:s5], $0x800  }
0xa3: {  	[sflag:s5] =	ssyncset.done $0x0  }
0xa4: {  	[sflag:s5] =	ssyncadd.s32 $0xFFFFF800  }
0xa5: {  	[tilespmem:s8], [sflag:$0x1] =	stream.linear.gather [hbm4b:s4+s3], $0x4000, $0x38;
	[tilespmem:$0x18990] =	vst v63  }
0xa6: {  	s0 =	rddreg [dreg:$0x6]  }
0xa7: {  	[tilespmem:s9], [sflag:$0x2] =	stream.linear.gather [hbm4b:s0+s3], $0x4000, $0x38;
	[tilespmem:$0x18990] =	vst v63  }
0xa8: {  	s2 =	rddreg [dreg:$0x7]  }
0xa9: {  	[tilespmem:s10], [sflag:$0x3] =	stream.linear.gather [hbm4b:s2+s3], $0x4000, $0x38;
	[tilespmem:$0x18990] =	vst v63  }
0xaa: {  	s6 =	rddreg [dreg:$0x8]  }
0xab: {  	[tilespmem:s11], [sflag:$0x4] =	stream.linear.gather [hbm4b:s6+s3], $0x4000, $0x38;
	[tilespmem:$0x18990] =	vst v63  }
0xac: {  	s0 =	rddreg [dreg:$0x9]  }
0xad: {  	[tilespmem:s12], [sflag:$0x5] =	stream.linear.gather [hbm4b:s0+s3], $0x4000, $0x38;
	[tilespmem:$0x18990] =	vst v63  }
0xae: {  	_ = 	snop  }
0xaf: {  	[tilespmem:s14], [sflag:$0x6] =	stream.linear.gather [hbm4b:s13+s3], $0x4000, $0x38;
	[tilespmem:$0x18990] =	vst v63  }
0xb0: {  	_ =	swait.ge [sflag:s15], $0x4000  }
0xb1: {  	[sflag:s15] =	ssyncset.done $0x0  }
0xb2: {  	[sflag:s15] =	ssyncadd.s32 $0xFFFFC000  }
0xb3: {  	[tilespmem:s8], [sflag:$0x1] =	stream.linear.gather [hbm4b:s16+s3], $0x4000, $0x38;
	[tilespmem:$0x18990] =	vst v63  }
0xb4: {  	_ =	swait.ge [sflag:s17], $0x4000  }
0xb5: {  	[sflag:s17] =	ssyncset.done $0x0  }
0xb6: {  	[sflag:s17] =	ssyncadd.s32 $0xFFFFC000  }
0xb7: {  	[tilespmem:s9], [sflag:$0x2] =	stream.linear.gather [hbm4b:s18+s3], $0x4000, $0x38;
	[tilespmem:$0x18990] =	vst v63  }
0xb8: {  	_ =	swait.ge [sflag:s19], $0x4000  }
0xb9: {  	[sflag:s19] =	ssyncset.done $0x0  }
0xba: {  	[sflag:s19] =	ssyncadd.s32 $0xFFFFC000  }
0xbb: {  	[tilespmem:s10], [sflag:$0x3] =	stream.linear.gather [hbm4b:s21+s3], $0x4000, $0x38;
	[tilespmem:$0x18990] =	vst v63  }
0xbc: {  	_ =	swait.ge [sflag:s20], $0x4000  }
0xbd: {  	[sflag:s20] =	ssyncset.done $0x0  }
0xbe: {  	[sflag:s20] =	ssyncadd.s32 $0xFFFFC000  }
0xbf: {  	[tilespmem:s11], [sflag:$0x4] =	stream.linear.gather [hbm4b:s22+s3], $0x4000, $0x38;
	[tilespmem:$0x18990] =	vst v63  }
0xc0: {  	_ =	swait.ge [sflag:s23], $0x4000  }
0xc1: {  	[sflag:s23] =	ssyncset.done $0x0  }
0xc2: {  	[sflag:s23] =	ssyncadd.s32 $0xFFFFC000  }
0xc3: {  	[tilespmem:s12], [sflag:$0x5] =	stream.linear.gather [hbm4b:s24+s3], $0x4000, $0x38;
	[tilespmem:$0x18990] =	vst v63  }
0xc4: {  	_ =	swait.ge [sflag:s25], $0x4000  }
0xc5: {  	[sflag:s25] =	ssyncset.done $0x0  }
0xc6: {  	[sflag:s25] =	ssyncadd.s32 $0xFFFFC000  }
0xc7: {  	[tilespmem:s14], [sflag:$0x6] =	stream.linear.gather [hbm4b:s26+s3], $0x4000, $0x38;
	[tilespmem:$0x18990] =	vst v63  }
0xc8: {  	_ =	swait.ge [sflag:s15], $0x4000  }
0xc9: {  	[sflag:s15] =	ssyncset.done $0x0  }
0xca: {  	[sflag:s15] =	ssyncadd.s32 $0xFFFFC000  }
0xcb: {  	[tilespmem:s8], [sflag:$0x1] =	stream.linear.gather [hbm4b:s28+s3], $0x4000, $0x38;
	[tilespmem:$0x18990] =	vst v63  }
0xcc: {  	_ =	swait.ge [sflag:s17], $0x4000  }
0xcd: {  	[sflag:s17] =	ssyncset.done $0x0  }
0xce: {  	[sflag:s17] =	ssyncadd.s32 $0xFFFFC000  }
0xcf: {  	[tilespmem:s9], [sflag:$0x2] =	stream.linear.gather [hbm4b:s29+s3], $0x4000, $0x38;
	[tilespmem:$0x18990] =	vst v63  }
0xd0: {  	_ =	swait.ge [sflag:s19], $0x4000  }
0xd1: {  	[sflag:s19] =	ssyncset.done $0x0  }
0xd2: {  	[sflag:s19] =	ssyncadd.s32 $0xFFFFC000  }
0xd3: {  	[tilespmem:s10], [sflag:$0x3] =	stream.linear.gather [hbm4b:s30+s3], $0x4000, $0x38;
	[tilespmem:$0x18990] =	vst v63  }
0xd4: {  	_ =	swait.ge [sflag:s20], $0x4000  }
0xd5: {  	[sflag:s20] =	ssyncset.done $0x0  }
0xd6: {  	[sflag:s20] =	ssyncadd.s32 $0xFFFFC000  }
0xd7: {  	[tilespmem:s11], [sflag:$0x4] =	stream.linear.gather [hbm4b:s31+s3], $0x4000, $0x38;
	[tilespmem:$0x18990] =	vst v63  }
0xd8: {  	_ =	swait.ge [sflag:s23], $0x4000  }
0xd9: {  	[sflag:s23] =	ssyncset.done $0x0  }
0xda: {  	[sflag:s23] =	ssyncadd.s32 $0xFFFFC000  }
0xdb: {  	_ =	swait.ge [sflag:s25], $0x4000  }
0xdc: {  	[sflag:s25] =	ssyncset.done $0x0  }
0xdd: {  	[sflag:s25] =	ssyncadd.s32 $0xFFFFC000  }
0xde: {  	_ =	swait.ge [sflag:s15], $0x4000  }
0xdf: {  	[sflag:s15] =	ssyncset.done $0x0  }
0xe0: {  	[sflag:s15] =	ssyncadd.s32 $0xFFFFC000  }
0xe1: {  	p0 =	sne.s32 s1, $0x1;
	_ =	swait.ge [sflag:s17], $0x4000  }
.Ltmp1:
0xe2: {  	[sflag:s17] =	ssyncset.done $0x0;
	(pc) =	sbr.rel @p0 .LBB2_2-.Ltmp1, $4  }
0xe3: {  	[sflag:s17] =	ssyncadd.s32 $0xFFFFC000  }
0xe4: {  	_ =	swait.ge [sflag:s19], $0x4000  }
0xe5: {  	[sflag:s19] =	ssyncset.done $0x0  }
0xe6: {  	s1 =	sadd.s32 $0xFFFFFFFF, s1;
	[sflag:s19] =	ssyncadd.s32 $0xFFFFC000  }
.LBB2_3:
0xe7: {  	_ =	swait.ge [sflag:s20], $0x4000  }
0xe8: {  	[sflag:s20] =	ssyncset.done $0x0  }
0xe9: {  	[sflag:s20] =	ssyncadd.s32 $0xFFFFC000  }
0xea: {  	_ =	sfence.sel $0x180000  }
0xeb: {  	[bflag:$0x0] =	sbarrier.arrive $0xFFFF  }
0xec: {  	_ =	strace $0x90000047  }
0xed: {  	s0 =	stileid.u32;
	[bflag:$0x2] =	sbarrier.arrive $0xFFFF  }
0xee: {  	p0 =	sne.s32 s0, $0x0;
	s0 =	rddreg [dreg:$0x3]  }
0xef: {  	s0 =	sadd.s32 @!p0 $0x100000, s0  }
0xf0: {  	[sflag:s0] =	ssyncadd.tile.s32 @!p0 $0x1;
	_ =	shalt  }
.Lfunc_end2:
_tile_overlayer_lowered:
.L_overlay_start_2:
0xf1: {  	(tag) =	ssettag $0x2  }
0xf2: {  	s0 =	rddreg [dreg:$0x0];
	s2 =	stileid.u32  }
0xf3: {  	s1 =	rddreg [dreg:$0x1];
	p0 =	sne.s32 s2, $0x0  }
0xf4: {  	s3 =	rddreg [dreg:$0x2];
	[bflag:$0x3] =	sbarrier.arrive $0xFFFF;
	s2 =	simm.s32 @!p0 $0x1C07  }
0xf5: {  	[timem:s3], [sflag:s2] =	dma.local @!p0 [hbm:s0], s1  }
0xf6: {  	s0 =	simm.s32 @!p0 $0x7  }
0xf7: {  	_ =	swait.ge @!p0 [sflag:s0], s1  }
0xf8: {  	s1 =	ssub.s32 @!p0 $0x0, s1;
	[sflag:s0] =	ssyncset.done @!p0 $0x0  }
0xf9: {  	[sflag:s0] =	ssyncadd.s32 @!p0 s1  }
0xfa: {  	[bflag:$0x3] =	sbarrier.arrive $0xFFFF  }
0xfb: {  	_ =	shalt  }

</sc_bundles>
